<compile_context>
chip_gen: v7x
topology: tpu7x:2x2x1
jax: 0.10.2.dev20260603
libtpu: 0.0.44.dev20260713+nightly
codegen_flags: <defaults>
</compile_context>

<pallas_src>
import functools

import jax
import jax.numpy as jnp
from jax import lax
from jax.experimental import pallas as pl
from jax.experimental.pallas import tpu as pltpu
from jax.experimental.pallas import tpu_sc as plsc

_B, _S, _D = 16, 2048, 1024
_TOK_PER_W = 1024
_CHUNK = 64
_LANES = 16


def _sc_body(x_hbm, m_hbm, out_hbm, xb_v, mrow_v, acc_v):
    nc = 2
    wid = lax.axis_index("s") * nc + lax.axis_index("c")
    b = wid // 2
    h = wid % 2
    base = b * _S + h * _TOK_PER_W

    pltpu.sync_copy(m_hbm.at[b], mrow_v)

    def len_step(i, acc):
        return acc + mrow_v[pl.ds(i * _LANES, _LANES)]

    acc = lax.fori_loop(0, _S // _LANES, len_step,
                        jnp.zeros((_LANES,), jnp.int32))
    acc_v[...] = acc
    length = jnp.zeros((_LANES,), jnp.int32)
    for k in range(_LANES):
        length = length + plsc.load_gather(
            acc_v, [jnp.full((_LANES,), k, jnp.int32)])

    def chunk_step(c, _):
        tok0 = base + c * _CHUNK
        pltpu.sync_copy(x_hbm.at[pl.ds(tok0, _CHUNK), :], xb_v)

        def tok_step(t, _):
            s_pos = h * _TOK_PER_W + c * _CHUNK + t
            idx = jnp.full((_LANES,), s_pos, jnp.int32)
            mv = plsc.load_gather(mrow_v, [idx])
            keep = jnp.logical_and(idx < length, mv > 0)
            f = jnp.where(keep, jnp.float32(1.0), jnp.float32(0.0))
            for j in range(_D // _LANES):
                xb_v[t, pl.ds(j * _LANES, _LANES)] = (
                    xb_v[t, pl.ds(j * _LANES, _LANES)] * f)
            return 0

        lax.fori_loop(0, _CHUNK, tok_step, 0)
        pltpu.sync_copy(xb_v, out_hbm.at[pl.ds(tok0, _CHUNK), :])
        return 0

    lax.fori_loop(0, _TOK_PER_W // _CHUNK, chunk_step, 0)


def kernel(x, mask):
    B, S, D = x.shape
    m = mask.astype(jnp.int32)
    xf = x.reshape(B * S, D)
    mesh = plsc.VectorSubcoreMesh(core_axis_name="c", subcore_axis_name="s")
    k = functools.partial(
        pl.kernel,
        mesh=mesh,
        out_type=jax.ShapeDtypeStruct((B * S, D), jnp.float32),
        scratch_types=[
            pltpu.VMEM((_CHUNK, _D), jnp.float32),
            pltpu.VMEM((_S,), jnp.int32),
            pltpu.VMEM((_LANES,), jnp.int32),
        ],
        compiler_params=pltpu.CompilerParams(needs_layout_passes=False),
    )(_sc_body)
    out = k(xf, m)
    return out.reshape(B, S, D)

# --- scband reference (transcript-rebuilt; emitter-appended) ---
"""Pipeline reference for scband-squeeze-embedding-65824668778972 (READ-ONLY COPY).

The authoritative reference and input builder live on the scoring server;
editing this copy changes nothing except your own understanding.
"""

import jax, jax.numpy as jnp
import numpy as np


def setup_inputs(seed: int = 0) -> dict:
    key = jax.random.key(seed)
    k1, _ = jax.random.split(key)
    B, S, D = 16, 2048, 1024
    x = jax.random.normal(k1, (B, S, D), dtype=jnp.float32)
    mask = jnp.ones((B, S), dtype=jnp.bool_)
    return {"x": x, "mask": mask}


def reference(x, mask):
    # x: [B, S, D], mask: [B, S] bool (prefix-valid; True for real tokens)
    x_len = jnp.sum(mask.astype(jnp.int32), axis=1)
    # sort lengths descending (torch.sort(..., descending=True))
    idx_sort = jnp.argsort(-x_len)
    idx_unsort = jnp.argsort(idx_sort)
    x_sorted = x[idx_sort]
    mask_sorted = mask[idx_sort]
    len_sorted = x_len[idx_sort]
    # pack_padded_sequence keeps the first len_i tokens of each row;
    # pad_packed_sequence zero-fills beyond each row's length and pads to
    # max(len). Here max(len) == S (at least one full-length row), so the
    # net effect is zeroing positions t >= len_i.
    S = x.shape[1]
    pos = jnp.arange(S)
    keep = (pos[None, :] < len_sorted[:, None]).astype(x.dtype)
    x_padded = x_sorted * keep[:, :, None]
    # unsort back to original batch order
    x_padded = x_padded[idx_unsort]
    mask_unsorted = mask_sorted[idx_unsort]
    # final masking, exactly as the torch module does
    out = x_padded * mask_unsorted[:, :, None].astype(x.dtype)
    return out

if __name__ == "__main__":
    import jax
    _d = setup_inputs()
    print(jax.jit(kernel)(*tuple(_d.values())))

</pallas_src>

<mosaic_0001>
#map = affine_map<(d0, d1) -> (0, 0)>
module attributes {stable_mosaic.version = 14 : i64} {
  func.func @_sc_body(%arg0: i32, %arg1: i32, %arg2: memref<32768x1024xf32, #tpu.memory_space<hbm>>, %arg3: memref<16x2048xi32, #tpu.memory_space<hbm>>, %arg4: memref<32768x1024xf32, #tpu.memory_space<hbm>>, %arg5: memref<64x1024xf32, #tpu.memory_space<vmem>>, %arg6: memref<2048xi32, #tpu.memory_space<vmem>>, %arg7: memref<16xi32, #tpu.memory_space<vmem>>) attributes {dimension_semantics = [#tpu.dimension_semantics<core_parallel>, #tpu.dimension_semantics<subcore_parallel>], iteration_bounds = array<i64: 2, 16>, scalar_prefetch = 0 : i64, scratch_operands = 3 : i64, tpu.core_type = #tpu.core_type<sc_vector_subcore>, window_params = [{transform_indices = #map}, {transform_indices = #map}, {transform_indices = #map}]} {
    %mul3A = arith.constant 2 : i32
    %mul3A_0 = arith.muli %arg1, %mul3A : i32
    %add3A = arith.addi %mul3A_0, %arg0 : i32
    %jit3A = arith.constant 2 : i32
    %div3A = arith.divsi %add3A, %jit3A : i32
    %sign3A = arith.constant 0 : i32
    %sign3A_1 = arith.cmpi sgt, %add3A, %sign3A : i32
    %sign3A_2 = arith.extui %sign3A_1 : i1 to i32
    %sign3A_3 = arith.constant 0 : i32
    %sign3A_4 = arith.cmpi slt, %add3A, %sign3A_3 : i32
    %sign3A_5 = arith.extui %sign3A_4 : i1 to i32
    %sign3A_6 = arith.subi %sign3A_2, %sign3A_5 : i32
    %sign3A_7 = arith.constant 0 : i32
    %sign3A_8 = arith.cmpi sgt, %jit3A, %sign3A_7 : i32
    %sign3A_9 = arith.extui %sign3A_8 : i1 to i32
    %sign3A_10 = arith.constant 0 : i32
    %sign3A_11 = arith.cmpi slt, %jit3A, %sign3A_10 : i32
    %sign3A_12 = arith.extui %sign3A_11 : i1 to i32
    %sign3A_13 = arith.subi %sign3A_9, %sign3A_12 : i32
    %ne3A = arith.cmpi ne, %sign3A_6, %sign3A_13 : i32
    %rem3A = arith.remsi %add3A, %jit3A : i32
    %ne3A_14 = arith.constant 0 : i32
    %ne3A_15 = arith.cmpi ne, %rem3A, %ne3A_14 : i32
    %and3A = arith.andi %ne3A, %ne3A_15 : i1
    %sub3A = arith.constant 1 : i32
    %sub3A_16 = arith.subi %div3A, %sub3A : i32
    %select_n3A = arith.select %and3A, %sub3A_16, %div3A : i32
    %jit3A_17 = arith.constant 2 : i32
    %eq3A = arith.constant 0 : i32
    %eq3A_18 = arith.cmpi eq, %jit3A_17, %eq3A : i32
    %jit3A_19 = arith.constant 1 : i32
    %select_n3A_20 = arith.select %eq3A_18, %jit3A_19, %jit3A_17 : i32
    %rem3A_21 = arith.remsi %add3A, %select_n3A_20 : i32
    %ne3A_22 = arith.constant 0 : i32
    %ne3A_23 = arith.cmpi ne, %rem3A_21, %ne3A_22 : i32
    %lt3A = arith.constant 0 : i32
    %lt3A_24 = arith.cmpi slt, %rem3A_21, %lt3A : i32
    %lt3A_25 = arith.constant 0 : i32
    %lt3A_26 = arith.cmpi slt, %select_n3A_20, %lt3A_25 : i32
    %ne3A_27 = arith.xori %lt3A_24, %lt3A_26 : i1
    %and3A_28 = arith.andi %ne3A_27, %ne3A_23 : i1
    %add3A_29 = arith.addi %rem3A_21, %select_n3A_20 : i32
    %select_n3A_30 = arith.select %and3A_28, %add3A_29, %rem3A_21 : i32
    %mul3A_31 = arith.constant 2048 : i32
    %mul3A_32 = arith.muli %select_n3A, %mul3A_31 : i32
    %mul3A_33 = arith.constant 1024 : i32
    %mul3A_34 = arith.muli %select_n3A_30, %mul3A_33 : i32
    %add3A_35 = arith.addi %mul3A_32, %mul3A_34 : i32
    "tpu.region"() ({
      %run_scoped3A = tpu.sem_alloc : memref<!tpu.dma_semaphore, #tpu.memory_space<semaphore_mem>>
      %dma_start3A = arith.constant 0 : i32
      %dma_start3A_115 = tpu.memref_slice %arg3[%select_n3A, %dma_start3A] : memref<16x2048xi32, #tpu.memory_space<hbm>> -> memref<1x2048xi32, #tpu.memory_space<hbm>>
      %dma_start3A_116 = tpu.memref_squeeze %dma_start3A_115 : memref<1x2048xi32, #tpu.memory_space<hbm>> -> memref<2048xi32, #tpu.memory_space<hbm>>
      %dma_start3A_117 = arith.constant 0 : i32
      %dma_start3A_118 = tpu.memref_slice %arg3[%select_n3A, %dma_start3A_117] : memref<16x2048xi32, #tpu.memory_space<hbm>> -> memref<1x2048xi32, #tpu.memory_space<hbm>>
      %dma_start3A_119 = tpu.memref_squeeze %dma_start3A_118 : memref<1x2048xi32, #tpu.memory_space<hbm>> -> memref<2048xi32, #tpu.memory_space<hbm>>
      tpu.enqueue_dma source(%dma_start3A_119 : memref<2048xi32, #tpu.memory_space<hbm>>) target(%arg6 : memref<2048xi32, #tpu.memory_space<vmem>>) target_semaphore(%run_scoped3A : memref<!tpu.dma_semaphore, #tpu.memory_space<semaphore_mem>>)
      %dma_wait3A = arith.constant 0 : i32
      %dma_wait3A_120 = tpu.memref_slice %arg3[%select_n3A, %dma_wait3A] : memref<16x2048xi32, #tpu.memory_space<hbm>> -> memref<1x2048xi32, #tpu.memory_space<hbm>>
      %dma_wait3A_121 = tpu.memref_squeeze %dma_wait3A_120 : memref<1x2048xi32, #tpu.memory_space<hbm>> -> memref<2048xi32, #tpu.memory_space<hbm>>
      %dma_wait3A_122 = arith.constant 0 : i32
      %dma_wait3A_123 = tpu.memref_slice %arg3[%select_n3A, %dma_wait3A_122] : memref<16x2048xi32, #tpu.memory_space<hbm>> -> memref<1x2048xi32, #tpu.memory_space<hbm>>
      %dma_wait3A_124 = tpu.memref_squeeze %dma_wait3A_123 : memref<1x2048xi32, #tpu.memory_space<hbm>> -> memref<2048xi32, #tpu.memory_space<hbm>>
      tpu.wait_dma2 semaphore(%run_scoped3A : memref<!tpu.dma_semaphore, #tpu.memory_space<semaphore_mem>>) src(%dma_wait3A_124 : memref<2048xi32, #tpu.memory_space<hbm>>) dst(%arg6 : memref<2048xi32, #tpu.memory_space<vmem>>)
      tpu.yield
    }) : () -> ()
    %broadcast_in_dim3A = arith.constant 0 : i32
    %broadcast_in_dim3A_36 = vector.broadcast %broadcast_in_dim3A : i32 to vector<16xi32>
    %scan3A = arith.constant 0 : i32
    %scan3A_37 = arith.constant 128 : i32
    %scan3A_38 = arith.addi %scan3A, %scan3A_37 : i32
    %scan3A_39 = arith.constant 1 : i32
    %scan3A_40 = scf.for %scan3A_115 = %scan3A to %scan3A_38 step %scan3A_39 iter_args(%scan3A_116 = %broadcast_in_dim3A_36) -> (vector<16xi32>)  : i32 {
      %mul3A_117 = arith.constant 16 : i32
      %mul3A_118 = arith.muli %scan3A_115, %mul3A_117 : i32
      %get3A = arith.index_cast %mul3A_118 : i32 to index
      %get3A_119 = tpu.vector_load %arg6[%get3A] {strides = array<i32>} : memref<2048xi32, #tpu.memory_space<vmem>>, vector<16xi32>,
      %add3A_120 = arith.addi %scan3A_116, %get3A_119 : vector<16xi32>
      scf.yield %add3A_120 : vector<16xi32>
    }
    %scan3A_41 = arith.constant 128 : i32
    %swap3A = arith.constant 0 : index
    %swap3A_42 = tpu.vector_load %arg7[%swap3A] {strides = array<i32>} : memref<16xi32, #tpu.memory_space<vmem>>, vector<16xi32>,
    tpu.vector_store %arg7[%swap3A], %scan3A_40 {strides = array<i32>} : memref<16xi32, #tpu.memory_space<vmem>>, vector<16xi32>,
    %broadcast_in_dim3A_43 = arith.constant 0 : i32
    %broadcast_in_dim3A_44 = vector.broadcast %broadcast_in_dim3A_43 : i32 to vector<16xi32>
    %broadcast_in_dim3A_45 = arith.constant 0 : i32
    %broadcast_in_dim3A_46 = vector.broadcast %broadcast_in_dim3A_45 : i32 to vector<16xi32>
    %gather3A = tpu.vector_load_idx %arg7[%broadcast_in_dim3A_46] : memref<16xi32, #tpu.memory_space<vmem>>[vector<16xi32>], vector<16xi32>,
    %add3A_47 = arith.addi %broadcast_in_dim3A_44, %gather3A : vector<16xi32>
    %broadcast_in_dim3A_48 = arith.constant 1 : i32
    %broadcast_in_dim3A_49 = vector.broadcast %broadcast_in_dim3A_48 : i32 to vector<16xi32>
    %gather3A_50 = tpu.vector_load_idx %arg7[%broadcast_in_dim3A_49] : memref<16xi32, #tpu.memory_space<vmem>>[vector<16xi32>], vector<16xi32>,
    %add3A_51 = arith.addi %add3A_47, %gather3A_50 : vector<16xi32>
    %broadcast_in_dim3A_52 = arith.constant 2 : i32
    %broadcast_in_dim3A_53 = vector.broadcast %broadcast_in_dim3A_52 : i32 to vector<16xi32>
    %gather3A_54 = tpu.vector_load_idx %arg7[%broadcast_in_dim3A_53] : memref<16xi32, #tpu.memory_space<vmem>>[vector<16xi32>], vector<16xi32>,
    %add3A_55 = arith.addi %add3A_51, %gather3A_54 : vector<16xi32>
    %broadcast_in_dim3A_56 = arith.constant 3 : i32
    %broadcast_in_dim3A_57 = vector.broadcast %broadcast_in_dim3A_56 : i32 to vector<16xi32>
    %gather3A_58 = tpu.vector_load_idx %arg7[%broadcast_in_dim3A_57] : memref<16xi32, #tpu.memory_space<vmem>>[vector<16xi32>], vector<16xi32>,
    %add3A_59 = arith.addi %add3A_55, %gather3A_58 : vector<16xi32>
    %broadcast_in_dim3A_60 = arith.constant 4 : i32
    %broadcast_in_dim3A_61 = vector.broadcast %broadcast_in_dim3A_60 : i32 to vector<16xi32>
    %gather3A_62 = tpu.vector_load_idx %arg7[%broadcast_in_dim3A_61] : memref<16xi32, #tpu.memory_space<vmem>>[vector<16xi32>], vector<16xi32>,
    %add3A_63 = arith.addi %add3A_59, %gather3A_62 : vector<16xi32>
    %broadcast_in_dim3A_64 = arith.constant 5 : i32
    %broadcast_in_dim3A_65 = vector.broadcast %broadcast_in_dim3A_64 : i32 to vector<16xi32>
    %gather3A_66 = tpu.vector_load_idx %arg7[%broadcast_in_dim3A_65] : memref<16xi32, #tpu.memory_space<vmem>>[vector<16xi32>], vector<16xi32>,
    %add3A_67 = arith.addi %add3A_63, %gather3A_66 : vector<16xi32>
    %broadcast_in_dim3A_68 = arith.constant 6 : i32
    %broadcast_in_dim3A_69 = vector.broadcast %broadcast_in_dim3A_68 : i32 to vector<16xi32>
    %gather3A_70 = tpu.vector_load_idx %arg7[%broadcast_in_dim3A_69] : memref<16xi32, #tpu.memory_space<vmem>>[vector<16xi32>], vector<16xi32>,
    %add3A_71 = arith.addi %add3A_67, %gather3A_70 : vector<16xi32>
    %broadcast_in_dim3A_72 = arith.constant 7 : i32
    %broadcast_in_dim3A_73 = vector.broadcast %broadcast_in_dim3A_72 : i32 to vector<16xi32>
    %gather3A_74 = tpu.vector_load_idx %arg7[%broadcast_in_dim3A_73] : memref<16xi32, #tpu.memory_space<vmem>>[vector<16xi32>], vector<16xi32>,
    %add3A_75 = arith.addi %add3A_71, %gather3A_74 : vector<16xi32>
    %broadcast_in_dim3A_76 = arith.constant 8 : i32
    %broadcast_in_dim3A_77 = vector.broadcast %broadcast_in_dim3A_76 : i32 to vector<16xi32>
    %gather3A_78 = tpu.vector_load_idx %arg7[%broadcast_in_dim3A_77] : memref<16xi32, #tpu.memory_space<vmem>>[vector<16xi32>], vector<16xi32>,
    %add3A_79 = arith.addi %add3A_75, %gather3A_78 : vector<16xi32>
    %broadcast_in_dim3A_80 = arith.constant 9 : i32
    %broadcast_in_dim3A_81 = vector.broadcast %broadcast_in_dim3A_80 : i32 to vector<16xi32>
    %gather3A_82 = tpu.vector_load_idx %arg7[%broadcast_in_dim3A_81] : memref<16xi32, #tpu.memory_space<vmem>>[vector<16xi32>], vector<16xi32>,
    %add3A_83 = arith.addi %add3A_79, %gather3A_82 : vector<16xi32>
    %broadcast_in_dim3A_84 = arith.constant 10 : i32
    %broadcast_in_dim3A_85 = vector.broadcast %broadcast_in_dim3A_84 : i32 to vector<16xi32>
    %gather3A_86 = tpu.vector_load_idx %arg7[%broadcast_in_dim3A_85] : memref<16xi32, #tpu.memory_space<vmem>>[vector<16xi32>], vector<16xi32>,
    %add3A_87 = arith.addi %add3A_83, %gather3A_86 : vector<16xi32>
    %broadcast_in_dim3A_88 = arith.constant 11 : i32
    %broadcast_in_dim3A_89 = vector.broadcast %broadcast_in_dim3A_88 : i32 to vector<16xi32>
    %gather3A_90 = tpu.vector_load_idx %arg7[%broadcast_in_dim3A_89] : memref<16xi32, #tpu.memory_space<vmem>>[vector<16xi32>], vector<16xi32>,
    %add3A_91 = arith.addi %add3A_87, %gather3A_90 : vector<16xi32>
    %broadcast_in_dim3A_92 = arith.constant 12 : i32
    %broadcast_in_dim3A_93 = vector.broadcast %broadcast_in_dim3A_92 : i32 to vector<16xi32>
    %gather3A_94 = tpu.vector_load_idx %arg7[%broadcast_in_dim3A_93] : memref<16xi32, #tpu.memory_space<vmem>>[vector<16xi32>], vector<16xi32>,
    %add3A_95 = arith.addi %add3A_91, %gather3A_94 : vector<16xi32>
    %broadcast_in_dim3A_96 = arith.constant 13 : i32
    %broadcast_in_dim3A_97 = vector.broadcast %broadcast_in_dim3A_96 : i32 to vector<16xi32>
    %gather3A_98 = tpu.vector_load_idx %arg7[%broadcast_in_dim3A_97] : memref<16xi32, #tpu.memory_space<vmem>>[vector<16xi32>], vector<16xi32>,
    %add3A_99 = arith.addi %add3A_95, %gather3A_98 : vector<16xi32>
    %broadcast_in_dim3A_100 = arith.constant 14 : i32
    %broadcast_in_dim3A_101 = vector.broadcast %broadcast_in_dim3A_100 : i32 to vector<16xi32>
    %gather3A_102 = tpu.vector_load_idx %arg7[%broadcast_in_dim3A_101] : memref<16xi32, #tpu.memory_space<vmem>>[vector<16xi32>], vector<16xi32>,
    %add3A_103 = arith.addi %add3A_99, %gather3A_102 : vector<16xi32>
    %broadcast_in_dim3A_104 = arith.constant 15 : i32
    %broadcast_in_dim3A_105 = vector.broadcast %broadcast_in_dim3A_104 : i32 to vector<16xi32>
    %gather3A_106 = tpu.vector_load_idx %arg7[%broadcast_in_dim3A_105] : memref<16xi32, #tpu.memory_space<vmem>>[vector<16xi32>], vector<16xi32>,
    %add3A_107 = arith.addi %add3A_103, %gather3A_106 : vector<16xi32>
    %scan3A_108 = arith.constant 0 : i32
    %scan3A_109 = arith.constant 0 : i32
    %scan3A_110 = arith.constant 16 : i32
    %scan3A_111 = arith.addi %scan3A_109, %scan3A_110 : i32
    %scan3A_112 = arith.constant 1 : i32
    %scan3A_113 = scf.for %scan3A_115 = %scan3A_109 to %scan3A_111 step %scan3A_112 iter_args(%scan3A_116 = %scan3A_108) -> (i32)  : i32 {
      %mul3A_117 = arith.constant 64 : i32
      %mul3A_118 = arith.muli %scan3A_115, %mul3A_117 : i32
      %add3A_119 = arith.addi %add3A_35, %mul3A_118 : i32
      "tpu.region"() ({
        %run_scoped3A = tpu.sem_alloc : memref<!tpu.dma_semaphore, #tpu.memory_space<semaphore_mem>>
        %dma_start3A = arith.constant 0 : i32
        %dma_start3A_128 = tpu.memref_slice %arg2[%add3A_119, %dma_start3A] : memref<32768x1024xf32, #tpu.memory_space<hbm>> -> memref<64x1024xf32, #tpu.memory_space<hbm>>
        %dma_start3A_129 = arith.constant 0 : i32
        %dma_start3A_130 = tpu.memref_slice %arg2[%add3A_119, %dma_start3A_129] : memref<32768x1024xf32, #tpu.memory_space<hbm>> -> memref<64x1024xf32, #tpu.memory_space<hbm>>
        tpu.enqueue_dma source(%dma_start3A_130 : memref<64x1024xf32, #tpu.memory_space<hbm>>) target(%arg5 : memref<64x1024xf32, #tpu.memory_space<vmem>>) target_semaphore(%run_scoped3A : memref<!tpu.dma_semaphore, #tpu.memory_space<semaphore_mem>>)
        %dma_wait3A = arith.constant 0 : i32
        %dma_wait3A_131 = tpu.memref_slice %arg2[%add3A_119, %dma_wait3A] : memref<32768x1024xf32, #tpu.memory_space<hbm>> -> memref<64x1024xf32, #tpu.memory_space<hbm>>
        %dma_wait3A_132 = arith.constant 0 : i32
        %dma_wait3A_133 = tpu.memref_slice %arg2[%add3A_119, %dma_wait3A_132] : memref<32768x1024xf32, #tpu.memory_space<hbm>> -> memref<64x1024xf32, #tpu.memory_space<hbm>>
        tpu.wait_dma2 semaphore(%run_scoped3A : memref<!tpu.dma_semaphore, #tpu.memory_space<semaphore_mem>>) src(%dma_wait3A_133 : memref<64x1024xf32, #tpu.memory_space<hbm>>) dst(%arg5 : memref<64x1024xf32, #tpu.memory_space<vmem>>)
        tpu.yield
      }) : () -> ()
      %scan3A_120 = arith.constant 0 : i32
      %scan3A_121 = arith.constant 0 : i32
      %scan3A_122 = arith.constant 64 : i32
      %scan3A_123 = arith.addi %scan3A_121, %scan3A_122 : i32
      %scan3A_124 = arith.constant 1 : i32
      %scan3A_125 = scf.for %scan3A_128 = %scan3A_121 to %scan3A_123 step %scan3A_124 iter_args(%scan3A_129 = %scan3A_120) -> (i32)  : i32 {
        %mul3A_130 = arith.constant 1024 : i32
        %mul3A_131 = arith.muli %select_n3A_30, %mul3A_130 : i32
        %mul3A_132 = arith.constant 64 : i32
        %mul3A_133 = arith.muli %scan3A_115, %mul3A_132 : i32
        %add3A_134 = arith.addi %mul3A_131, %mul3A_133 : i32
        %add3A_135 = arith.addi %add3A_134, %scan3A_128 : i32
        %broadcast_in_dim3A_136 = vector.broadcast %add3A_135 : i32 to vector<16xi32>
        %gather3A_137 = tpu.vector_load_idx %arg6[%broadcast_in_dim3A_136] : memref<2048xi32, #tpu.memory_space<vmem>>[vector<16xi32>], vector<16xi32>,
        %lt3A_138 = arith.cmpi slt, %broadcast_in_dim3A_136, %add3A_107 : vector<16xi32>
        %gt3A = arith.constant 0 : i32
        %gt3A_139 = vector.broadcast %gt3A : i32 to vector<16xi32>
        %gt3A_140 = arith.cmpi sgt, %gather3A_137, %gt3A_139 : vector<16xi32>
        %and3A_141 = arith.andi %lt3A_138, %gt3A_140 : vector<16xi1>
        %jit3A_142 = arith.constant 1.000000e+00 : f32
        %jit3A_143 = arith.constant 0.000000e+00 : f32
        %broadcast_in_dim3A_144 = vector.broadcast %jit3A_142 : f32 to vector<16xf32>
        %broadcast_in_dim3A_145 = vector.broadcast %jit3A_143 : f32 to vector<16xf32>
        %select_n3A_146 = arith.select %and3A_141, %broadcast_in_dim3A_144, %broadcast_in_dim3A_145 : vector<16xi1>, vector<16xf32>
        %get3A = arith.index_cast %scan3A_128 : i32 to index
        %get3A_147 = arith.constant 0 : index
        %get3A_148 = tpu.vector_load %arg5[%get3A, %get3A_147] {strides = array<i32>} : memref<64x1024xf32, #tpu.memory_space<vmem>>, vector<16xf32>,
        %mul3A_149 = arith.mulf %get3A_148, %select_n3A_146 : vector<16xf32>
        %swap3A_150 = arith.index_cast %scan3A_128 : i32 to index
        %swap3A_151 = arith.constant 0 : index
        %swap3A_152 = tpu.vector_load %arg5[%swap3A_150, %swap3A_151] {strides = array<i32>} : memref<64x1024xf32, #tpu.memory_space<vmem>>, vector<16xf32>,
        tpu.vector_store %arg5[%swap3A_150, %swap3A_151], %mul3A_149 {strides = array<i32>} : memref<64x1024xf32, #tpu.memory_space<vmem>>, vector<16xf32>,
        %get3A_153 = arith.index_cast %scan3A_128 : i32 to index
        %get3A_154 = arith.constant 16 : index
        %get3A_155 = tpu.vector_load %arg5[%get3A_153, %get3A_154] {strides = array<i32>} : memref<64x1024xf32, #tpu.memory_space<vmem>>, vector<16xf32>,
        %mul3A_156 = arith.mulf %get3A_155, %select_n3A_146 : vector<16xf32>
        %swap3A_157 = arith.index_cast %scan3A_128 : i32 to index
        %swap3A_158 = arith.constant 16 : index
        %swap3A_159 = tpu.vector_load %arg5[%swap3A_157, %swap3A_158] {strides = array<i32>} : memref<64x1024xf32, #tpu.memory_space<vmem>>, vector<16xf32>,
        tpu.vector_store %arg5[%swap3A_157, %swap3A_158], %mul3A_156 {strides = array<i32>} : memref<64x1024xf32, #tpu.memory_space<vmem>>, vector<16xf32>,
        %get3A_160 = arith.index_cast %scan3A_128 : i32 to index
        %get3A_161 = arith.constant 32 : index
        %get3A_162 = tpu.vector_load %arg5[%get3A_160, %get3A_161] {strides = array<i32>} : memref<64x1024xf32, #tpu.memory_space<vmem>>, vector<16xf32>,
        %mul3A_163 = arith.mulf %get3A_162, %select_n3A_146 : vector<16xf32>
        %swap3A_164 = arith.index_cast %scan3A_128 : i32 to index
        %swap3A_165 = arith.constant 32 : index
        %swap3A_166 = tpu.vector_load %arg5[%swap3A_164, %swap3A_165] {strides = array<i32>} : memref<64x1024xf32, #tpu.memory_space<vmem>>, vector<16xf32>,
        tpu.vector_store %arg5[%swap3A_164, %swap3A_165], %mul3A_163 {strides = array<i32>} : memref<64x1024xf32, #tpu.memory_space<vmem>>, vector<16xf32>,
        %get3A_167 = arith.index_cast %scan3A_128 : i32 to index
        %get3A_168 = arith.constant 48 : index
        %get3A_169 = tpu.vector_load %arg5[%get3A_167, %get3A_168] {strides = array<i32>} : memref<64x1024xf32, #tpu.memory_space<vmem>>, vector<16xf32>,
        %mul3A_170 = arith.mulf %get3A_169, %select_n3A_146 : vector<16xf32>
        %swap3A_171 = arith.index_cast %scan3A_128 : i32 to index
        %swap3A_172 = arith.constant 48 : index
        %swap3A_173 = tpu.vector_load %arg5[%swap3A_171, %swap3A_172] {strides = array<i32>} : memref<64x1024xf32, #tpu.memory_space<vmem>>, vector<16xf32>,
        tpu.vector_store %arg5[%swap3A_171, %swap3A_172], %mul3A_170 {strides = array<i32>} : memref<64x1024xf32, #tpu.memory_space<vmem>>, vector<16xf32>,
        %get3A_174 = arith.index_cast %scan3A_128 : i32 to index
        %get3A_175 = arith.constant 64 : index
        %get3A_176 = tpu.vector_load %arg5[%get3A_174, %get3A_175] {strides = array<i32>} : memref<64x1024xf32, #tpu.memory_space<vmem>>, vector<16xf32>,
        %mul3A_177 = arith.mulf %get3A_176, %select_n3A_146 : vector<16xf32>
        %swap3A_178 = arith.index_cast %scan3A_128 : i32 to index
        %swap3A_179 = arith.constant 64 : index
        %swap3A_180 = tpu.vector_load %arg5[%swap3A_178, %swap3A_179] {strides = array<i32>} : memref<64x1024xf32, #tpu.memory_space<vmem>>, vector<16xf32>,
        tpu.vector_store %arg5[%swap3A_178, %swap3A_179], %mul3A_177 {strides = array<i32>} : memref<64x1024xf32, #tpu.memory_space<vmem>>, vector<16xf32>,
        %get3A_181 = arith.index_cast %scan3A_128 : i32 to index
        %get3A_182 = arith.constant 80 : index
        %get3A_183 = tpu.vector_load %arg5[%get3A_181, %get3A_182] {strides = array<i32>} : memref<64x1024xf32, #tpu.memory_space<vmem>>, vector<16xf32>,
        %mul3A_184 = arith.mulf %get3A_183, %select_n3A_146 : vector<16xf32>
        %swap3A_185 = arith.index_cast %scan3A_128 : i32 to index
        %swap3A_186 = arith.constant 80 : index
        %swap3A_187 = tpu.vector_load %arg5[%swap3A_185, %swap3A_186] {strides = array<i32>} : memref<64x1024xf32, #tpu.memory_space<vmem>>, vector<16xf32>,
        tpu.vector_store %arg5[%swap3A_185, %swap3A_186], %mul3A_184 {strides = array<i32>} : memref<64x1024xf32, #tpu.memory_space<vmem>>, vector<16xf32>,
        %get3A_188 = arith.index_cast %scan3A_128 : i32 to index
        %get3A_189 = arith.constant 96 : index
        %get3A_190 = tpu.vector_load %arg5[%get3A_188, %get3A_189] {strides = array<i32>} : memref<64x1024xf32, #tpu.memory_space<vmem>>, vector<16xf32>,
        %mul3A_191 = arith.mulf %get3A_190, %select_n3A_146 : vector<16xf32>
        %swap3A_192 = arith.index_cast %scan3A_128 : i32 to index
        %swap3A_193 = arith.constant 96 : index
        %swap3A_194 = tpu.vector_load %arg5[%swap3A_192, %swap3A_193] {strides = array<i32>} : memref<64x1024xf32, #tpu.memory_space<vmem>>, vector<16xf32>,
        tpu.vector_store %arg5[%swap3A_192, %swap3A_193], %mul3A_191 {strides = array<i32>} : memref<64x1024xf32, #tpu.memory_space<vmem>>, vector<16xf32>,
        %get3A_195 = arith.index_cast %scan3A_128 : i32 to index
        %get3A_196 = arith.constant 112 : index
        %get3A_197 = tpu.vector_load %arg5[%get3A_195, %get3A_196] {strides = array<i32>} : memref<64x1024xf32, #tpu.memory_space<vmem>>, vector<16xf32>,
        %mul3A_198 = arith.mulf %get3A_197, %select_n3A_146 : vector<16xf32>
        %swap3A_199 = arith.index_cast %scan3A_128 : i32 to index
        %swap3A_200 = arith.constant 112 : index
        %swap3A_201 = tpu.vector_load %arg5[%swap3A_199, %swap3A_200] {strides = array<i32>} : memref<64x1024xf32, #tpu.memory_space<vmem>>, vector<16xf32>,
        tpu.vector_store %arg5[%swap3A_199, %swap3A_200], %mul3A_198 {strides = array<i32>} : memref<64x1024xf32, #tpu.memory_space<vmem>>, vector<16xf32>,
        %get3A_202 = arith.index_cast %scan3A_128 : i32 to index
        %get3A_203 = arith.constant 128 : index
        %get3A_204 = tpu.vector_load %arg5[%get3A_202, %get3A_203] {strides = array<i32>} : memref<64x1024xf32, #tpu.memory_space<vmem>>, vector<16xf32>,
        %mul3A_205 = arith.mulf %get3A_204, %select_n3A_146 : vector<16xf32>
        %swap3A_206 = arith.index_cast %scan3A_128 : i32 to index
        %swap3A_207 = arith.constant 128 : index
        %swap3A_208 = tpu.vector_load %arg5[%swap3A_206, %swap3A_207] {strides = array<i32>} : memref<64x1024xf32, #tpu.memory_space<vmem>>, vector<16xf32>,
        tpu.vector_store %arg5[%swap3A_206, %swap3A_207], %mul3A_205 {strides = array<i32>} : memref<64x1024xf32, #tpu.memory_space<vmem>>, vector<16xf32>,
        %get3A_209 = arith.index_cast %scan3A_128 : i32 to index
        %get3A_210 = arith.constant 144 : index
        %get3A_211 = tpu.vector_load %arg5[%get3A_209, %get3A_210] {strides = array<i32>} : memref<64x1024xf32, #tpu.memory_space<vmem>>, vector<16xf32>,
        %mul3A_212 = arith.mulf %get3A_211, %select_n3A_146 : vector<16xf32>
        %swap3A_213 = arith.index_cast %scan3A_128 : i32 to index
        %swap3A_214 = arith.constant 144 : index
        %swap3A_215 = tpu.vector_load %arg5[%swap3A_213, %swap3A_214] {strides = array<i32>} : memref<64x1024xf32, #tpu.memory_space<vmem>>, vector<16xf32>,
        tpu.vector_store %arg5[%swap3A_213, %swap3A_214], %mul3A_212 {strides = array<i32>} : memref<64x1024xf32, #tpu.memory_space<vmem>>, vector<16xf32>,
        %get3A_216 = arith.index_cast %scan3A_128 : i32 to index
        %get3A_217 = arith.constant 160 : index
        %get3A_218 = tpu.vector_load %arg5[%get3A_216, %get3A_217] {strides = array<i32>} : memref<64x1024xf32, #tpu.memory_space<vmem>>, vector<16xf32>,
        %mul3A_219 = arith.mulf %get3A_218, %select_n3A_146 : vector<16xf32>
        %swap3A_220 = arith.index_cast %scan3A_128 : i32 to index
        %swap3A_221 = arith.constant 160 : index
        %swap3A_222 = tpu.vector_load %arg5[%swap3A_220, %swap3A_221] {strides = array<i32>} : memref<64x1024xf32, #tpu.memory_space<vmem>>, vector<16xf32>,
        tpu.vector_store %arg5[%swap3A_220, %swap3A_221], %mul3A_219 {strides = array<i32>} : memref<64x1024xf32, #tpu.memory_space<vmem>>, vector<16xf32>,
        %get3A_223 = arith.index_cast %scan3A_128 : i32 to index
        %get3A_224 = arith.constant 176 : index
        %get3A_225 = tpu.vector_load %arg5[%get3A_223, %get3A_224] {strides = array<i32>} : memref<64x1024xf32, #tpu.memory_space<vmem>>, vector<16xf32>,
        %mul3A_226 = arith.mulf %get3A_225, %select_n3A_146 : vector<16xf32>
        %swap3A_227 = arith.index_cast %scan3A_128 : i32 to index
        %swap3A_228 = arith.constant 176 : index
        %swap3A_229 = tpu.vector_load %arg5[%swap3A_227, %swap3A_228] {strides = array<i32>} : memref<64x1024xf32, #tpu.memory_space<vmem>>, vector<16xf32>,
        tpu.vector_store %arg5[%swap3A_227, %swap3A_228], %mul3A_226 {strides = array<i32>} : memref<64x1024xf32, #tpu.memory_space<vmem>>, vector<16xf32>,
        %get3A_230 = arith.index_cast %scan3A_128 : i32 to index
        %get3A_231 = arith.constant 192 : index
        %get3A_232 = tpu.vector_load %arg5[%get3A_230, %get3A_231] {strides = array<i32>} : memref<64x1024xf32, #tpu.memory_space<vmem>>, vector<16xf32>,
        %mul3A_233 = arith.mulf %get3A_232, %select_n3A_146 : vector<16xf32>
        %swap3A_234 = arith.index_cast %scan3A_128 : i32 to index
        %swap3A_235 = arith.constant 192 : index
        %swap3A_236 = tpu.vector_load %arg5[%swap3A_234, %swap3A_235] {strides = array<i32>} : memref<64x1024xf32, #tpu.memory_space<vmem>>, vector<16xf32>,
        tpu.vector_store %arg5[%swap3A_234, %swap3A_235], %mul3A_233 {strides = array<i32>} : memref<64x1024xf32, #tpu.memory_space<vmem>>, vector<16xf32>,
        %get3A_237 = arith.index_cast %scan3A_128 : i32 to index
        %get3A_238 = arith.constant 208 : index
        %get3A_239 = tpu.vector_load %arg5[%get3A_237, %get3A_238] {strides = array<i32>} : memref<64x1024xf32, #tpu.memory_space<vmem>>, vector<16xf32>,
        %mul3A_240 = arith.mulf %get3A_239, %select_n3A_146 : vector<16xf32>
        %swap3A_241 = arith.index_cast %scan3A_128 : i32 to index
        %swap3A_242 = arith.constant 208 : index
        %swap3A_243 = tpu.vector_load %arg5[%swap3A_241, %swap3A_242] {strides = array<i32>} : memref<64x1024xf32, #tpu.memory_space<vmem>>, vector<16xf32>,
        tpu.vector_store %arg5[%swap3A_241, %swap3A_242], %mul3A_240 {strides = array<i32>} : memref<64x1024xf32, #tpu.memory_space<vmem>>, vector<16xf32>,
        %get3A_244 = arith.index_cast %scan3A_128 : i32 to index
        %get3A_245 = arith.constant 224 : index
        %get3A_246 = tpu.vector_load %arg5[%get3A_244, %get3A_245] {strides = array<i32>} : memref<64x1024xf32, #tpu.memory_space<vmem>>, vector<16xf32>,
        %mul3A_247 = arith.mulf %get3A_246, %select_n3A_146 : vector<16xf32>
        %swap3A_248 = arith.index_cast %scan3A_128 : i32 to index
        %swap3A_249 = arith.constant 224 : index
        %swap3A_250 = tpu.vector_load %arg5[%swap3A_248, %swap3A_249] {strides = array<i32>} : memref<64x1024xf32, #tpu.memory_space<vmem>>, vector<16xf32>,
        tpu.vector_store %arg5[%swap3A_248, %swap3A_249], %mul3A_247 {strides = array<i32>} : memref<64x1024xf32, #tpu.memory_space<vmem>>, vector<16xf32>,
        %get3A_251 = arith.index_cast %scan3A_128 : i32 to index
        %get3A_252 = arith.constant 240 : index
        %get3A_253 = tpu.vector_load %arg5[%get3A_251, %get3A_252] {strides = array<i32>} : memref<64x1024xf32, #tpu.memory_space<vmem>>, vector<16xf32>,
        %mul3A_254 = arith.mulf %get3A_253, %select_n3A_146 : vector<16xf32>
        %swap3A_255 = arith.index_cast %scan3A_128 : i32 to index
        %swap3A_256 = arith.constant 240 : index
        %swap3A_257 = tpu.vector_load %arg5[%swap3A_255, %swap3A_256] {strides = array<i32>} : memref<64x1024xf32, #tpu.memory_space<vmem>>, vector<16xf32>,
        tpu.vector_store %arg5[%swap3A_255, %swap3A_256], %mul3A_254 {strides = array<i32>} : memref<64x1024xf32, #tpu.memory_space<vmem>>, vector<16xf32>,
        %get3A_258 = arith.index_cast %scan3A_128 : i32 to index
        %get3A_259 = arith.constant 256 : index
        %get3A_260 = tpu.vector_load %arg5[%get3A_258, %get3A_259] {strides = array<i32>} : memref<64x1024xf32, #tpu.memory_space<vmem>>, vector<16xf32>,
        %mul3A_261 = arith.mulf %get3A_260, %select_n3A_146 : vector<16xf32>
        %swap3A_262 = arith.index_cast %scan3A_128 : i32 to index
        %swap3A_263 = arith.constant 256 : index
        %swap3A_264 = tpu.vector_load %arg5[%swap3A_262, %swap3A_263] {strides = array<i32>} : memref<64x1024xf32, #tpu.memory_space<vmem>>, vector<16xf32>,
        tpu.vector_store %arg5[%swap3A_262, %swap3A_263], %mul3A_261 {strides = array<i32>} : memref<64x1024xf32, #tpu.memory_space<vmem>>, vector<16xf32>,
        %get3A_265 = arith.index_cast %scan3A_128 : i32 to index
        %get3A_266 = arith.constant 272 : index
        %get3A_267 = tpu.vector_load %arg5[%get3A_265, %get3A_266] {strides = array<i32>} : memref<64x1024xf32, #tpu.memory_space<vmem>>, vector<16xf32>,
        %mul3A_268 = arith.mulf %get3A_267, %select_n3A_146 : vector<16xf32>
        %swap3A_269 = arith.index_cast %scan3A_128 : i32 to index
        %swap3A_270 = arith.constant 272 : index
        %swap3A_271 = tpu.vector_load %arg5[%swap3A_269, %swap3A_270] {strides = array<i32>} : memref<64x1024xf32, #tpu.memory_space<vmem>>, vector<16xf32>,
        tpu.vector_store %arg5[%swap3A_269, %swap3A_270], %mul3A_268 {strides = array<i32>} : memref<64x1024xf32, #tpu.memory_space<vmem>>, vector<16xf32>,
        %get3A_272 = arith.index_cast %scan3A_128 : i32 to index
        %get3A_273 = arith.constant 288 : index
        %get3A_274 = tpu.vector_load %arg5[%get3A_272, %get3A_273] {strides = array<i32>} : memref<64x1024xf32, #tpu.memory_space<vmem>>, vector<16xf32>,
        %mul3A_275 = arith.mulf %get3A_274, %select_n3A_146 : vector<16xf32>
        %swap3A_276 = arith.index_cast %scan3A_128 : i32 to index
        %swap3A_277 = arith.constant 288 : index
        %swap3A_278 = tpu.vector_load %arg5[%swap3A_276, %swap3A_277] {strides = array<i32>} : memref<64x1024xf32, #tpu.memory_space<vmem>>, vector<16xf32>,
        tpu.vector_store %arg5[%swap3A_276, %swap3A_277], %mul3A_275 {strides = array<i32>} : memref<64x1024xf32, #tpu.memory_space<vmem>>, vector<16xf32>,
        %get3A_279 = arith.index_cast %scan3A_128 : i32 to index
        %get3A_280 = arith.constant 304 : index
        %get3A_281 = tpu.vector_load %arg5[%get3A_279, %get3A_280] {strides = array<i32>} : memref<64x1024xf32, #tpu.memory_space<vmem>>, vector<16xf32>,
        %mul3A_282 = arith.mulf %get3A_281, %select_n3A_146 : vector<16xf32>
        %swap3A_283 = arith.index_cast %scan3A_128 : i32 to index
        %swap3A_284 = arith.constant 304 : index
        %swap3A_285 = tpu.vector_load %arg5[%swap3A_283, %swap3A_284] {strides = array<i32>} : memref<64x1024xf32, #tpu.memory_space<vmem>>, vector<16xf32>,
        tpu.vector_store %arg5[%swap3A_283, %swap3A_284], %mul3A_282 {strides = array<i32>} : memref<64x1024xf32, #tpu.memory_space<vmem>>, vector<16xf32>,
        %get3A_286 = arith.index_cast %scan3A_128 : i32 to index
        %get3A_287 = arith.constant 320 : index
        %get3A_288 = tpu.vector_load %arg5[%get3A_286, %get3A_287] {strides = array<i32>} : memref<64x1024xf32, #tpu.memory_space<vmem>>, vector<16xf32>,
        %mul3A_289 = arith.mulf %get3A_288, %select_n3A_146 : vector<16xf32>
        %swap3A_290 = arith.index_cast %scan3A_128 : i32 to index
        %swap3A_291 = arith.constant 320 : index
        %swap3A_292 = tpu.vector_load %arg5[%swap3A_290, %swap3A_291] {strides = array<i32>} : memref<64x1024xf32, #tpu.memory_space<vmem>>, vector<16xf32>,
        tpu.vector_store %arg5[%swap3A_290, %swap3A_291], %mul3A_289 {strides = array<i32>} : memref<64x1024xf32, #tpu.memory_space<vmem>>, vector<16xf32>,
        %get3A_293 = arith.index_cast %scan3A_128 : i32 to index
        %get3A_294 = arith.constant 336 : index
        %get3A_295 = tpu.vector_load %arg5[%get3A_293, %get3A_294] {strides = array<i32>} : memref<64x1024xf32, #tpu.memory_space<vmem>>, vector<16xf32>,
        %mul3A_296 = arith.mulf %get3A_295, %select_n3A_146 : vector<16xf32>
        %swap3A_297 = arith.index_cast %scan3A_128 : i32 to index
        %swap3A_298 = arith.constant 336 : index
        %swap3A_299 = tpu.vector_load %arg5[%swap3A_297, %swap3A_298] {strides = array<i32>} : memref<64x1024xf32, #tpu.memory_space<vmem>>, vector<16xf32>,
        tpu.vector_store %arg5[%swap3A_297, %swap3A_298], %mul3A_296 {strides = array<i32>} : memref<64x1024xf32, #tpu.memory_space<vmem>>, vector<16xf32>,
        %get3A_300 = arith.index_cast %scan3A_128 : i32 to index
        %get3A_301 = arith.constant 352 : index
        %get3A_302 = tpu.vector_load %arg5[%get3A_300, %get3A_301] {strides = array<i32>} : memref<64x1024xf32, #tpu.memory_space<vmem>>, vector<16xf32>,
        %mul3A_303 = arith.mulf %get3A_302, %select_n3A_146 : vector<16xf32>
        %swap3A_304 = arith.index_cast %scan3A_128 : i32 to index
        %swap3A_305 = arith.constant 352 : index
        %swap3A_306 = tpu.vector_load %arg5[%swap3A_304, %swap3A_305] {strides = array<i32>} : memref<64x1024xf32, #tpu.memory_space<vmem>>, vector<16xf32>,
        tpu.vector_store %arg5[%swap3A_304, %swap3A_305], %mul3A_303 {strides = array<i32>} : memref<64x1024xf32, #tpu.memory_space<vmem>>, vector<16xf32>,
        %get3A_307 = arith.index_cast %scan3A_128 : i32 to index
        %get3A_308 = arith.constant 368 : index
        %get3A_309 = tpu.vector_load %arg5[%get3A_307, %get3A_308] {strides = array<i32>} : memref<64x1024xf32, #tpu.memory_space<vmem>>, vector<16xf32>,
        %mul3A_310 = arith.mulf %get3A_309, %select_n3A_146 : vector<16xf32>
        %swap3A_311 = arith.index_cast %scan3A_128 : i32 to index
        %swap3A_312 = arith.constant 368 : index
        %swap3A_313 = tpu.vector_load %arg5[%swap3A_311, %swap3A_312] {strides = array<i32>} : memref<64x1024xf32, #tpu.memory_space<vmem>>, vector<16xf32>,
        tpu.vector_store %arg5[%swap3A_311, %swap3A_312], %mul3A_310 {strides = array<i32>} : memref<64x1024xf32, #tpu.memory_space<vmem>>, vector<16xf32>,
        %get3A_314 = arith.index_cast %scan3A_128 : i32 to index
        %get3A_315 = arith.constant 384 : index
        %get3A_316 = tpu.vector_load %arg5[%get3A_314, %get3A_315] {strides = array<i32>} : memref<64x1024xf32, #tpu.memory_space<vmem>>, vector<16xf32>,
        %mul3A_317 = arith.mulf %get3A_316, %select_n3A_146 : vector<16xf32>
        %swap3A_318 = arith.index_cast %scan3A_128 : i32 to index
        %swap3A_319 = arith.constant 384 : index
        %swap3A_320 = tpu.vector_load %arg5[%swap3A_318, %swap3A_319] {strides = array<i32>} : memref<64x1024xf32, #tpu.memory_space<vmem>>, vector<16xf32>,
        tpu.vector_store %arg5[%swap3A_318, %swap3A_319], %mul3A_317 {strides = array<i32>} : memref<64x1024xf32, #tpu.memory_space<vmem>>, vector<16xf32>,
        %get3A_321 = arith.index_cast %scan3A_128 : i32 to index
        %get3A_322 = arith.constant 400 : index
        %get3A_323 = tpu.vector_load %arg5[%get3A_321, %get3A_322] {strides = array<i32>} : memref<64x1024xf32, #tpu.memory_space<vmem>>, vector<16xf32>,
        %mul3A_324 = arith.mulf %get3A_323, %select_n3A_146 : vector<16xf32>
        %swap3A_325 = arith.index_cast %scan3A_128 : i32 to index
        %swap3A_326 = arith.constant 400 : index
        %swap3A_327 = tpu.vector_load %arg5[%swap3A_325, %swap3A_326] {strides = array<i32>} : memref<64x1024xf32, #tpu.memory_space<vmem>>, vector<16xf32>,
        tpu.vector_store %arg5[%swap3A_325, %swap3A_326], %mul3A_324 {strides = array<i32>} : memref<64x1024xf32, #tpu.memory_space<vmem>>, vector<16xf32>,
        %get3A_328 = arith.index_cast %scan3A_128 : i32 to index
        %get3A_329 = arith.constant 416 : index
        %get3A_330 = tpu.vector_load %arg5[%get3A_328, %get3A_329] {strides = array<i32>} : memref<64x1024xf32, #tpu.memory_space<vmem>>, vector<16xf32>,
        %mul3A_331 = arith.mulf %get3A_330, %select_n3A_146 : vector<16xf32>
        %swap3A_332 = arith.index_cast %scan3A_128 : i32 to index
        %swap3A_333 = arith.constant 416 : index
        %swap3A_334 = tpu.vector_load %arg5[%swap3A_332, %swap3A_333] {strides = array<i32>} : memref<64x1024xf32, #tpu.memory_space<vmem>>, vector<16xf32>,
        tpu.vector_store %arg5[%swap3A_332, %swap3A_333], %mul3A_331 {strides = array<i32>} : memref<64x1024xf32, #tpu.memory_space<vmem>>, vector<16xf32>,
        %get3A_335 = arith.index_cast %scan3A_128 : i32 to index
        %get3A_336 = arith.constant 432 : index
        %get3A_337 = tpu.vector_load %arg5[%get3A_335, %get3A_336] {strides = array<i32>} : memref<64x1024xf32, #tpu.memory_space<vmem>>, vector<16xf32>,
        %mul3A_338 = arith.mulf %get3A_337, %select_n3A_146 : vector<16xf32>
        %swap3A_339 = arith.index_cast %scan3A_128 : i32 to index
        %swap3A_340 = arith.constant 432 : index
        %swap3A_341 = tpu.vector_load %arg5[%swap3A_339, %swap3A_340] {strides = array<i32>} : memref<64x1024xf32, #tpu.memory_space<vmem>>, vector<16xf32>,
        tpu.vector_store %arg5[%swap3A_339, %swap3A_340], %mul3A_338 {strides = array<i32>} : memref<64x1024xf32, #tpu.memory_space<vmem>>, vector<16xf32>,
        %get3A_342 = arith.index_cast %scan3A_128 : i32 to index
        %get3A_343 = arith.constant 448 : index
        %get3A_344 = tpu.vector_load %arg5[%get3A_342, %get3A_343] {strides = array<i32>} : memref<64x1024xf32, #tpu.memory_space<vmem>>, vector<16xf32>,
        %mul3A_345 = arith.mulf %get3A_344, %select_n3A_146 : vector<16xf32>
        %swap3A_346 = arith.index_cast %scan3A_128 : i32 to index
        %swap3A_347 = arith.constant 448 : index
        %swap3A_348 = tpu.vector_load %arg5[%swap3A_346, %swap3A_347] {strides = array<i32>} : memref<64x1024xf32, #tpu.memory_space<vmem>>, vector<16xf32>,
        tpu.vector_store %arg5[%swap3A_346, %swap3A_347], %mul3A_345 {strides = array<i32>} : memref<64x1024xf32, #tpu.memory_space<vmem>>, vector<16xf32>,
        %get3A_349 = arith.index_cast %scan3A_128 : i32 to index
        %get3A_350 = arith.constant 464 : index
        %get3A_351 = tpu.vector_load %arg5[%get3A_349, %get3A_350] {strides = array<i32>} : memref<64x1024xf32, #tpu.memory_space<vmem>>, vector<16xf32>,
        %mul3A_352 = arith.mulf %get3A_351, %select_n3A_146 : vector<16xf32>
        %swap3A_353 = arith.index_cast %scan3A_128 : i32 to index
        %swap3A_354 = arith.constant 464 : index
        %swap3A_355 = tpu.vector_load %arg5[%swap3A_353, %swap3A_354] {strides = array<i32>} : memref<64x1024xf32, #tpu.memory_space<vmem>>, vector<16xf32>,
        tpu.vector_store %arg5[%swap3A_353, %swap3A_354], %mul3A_352 {strides = array<i32>} : memref<64x1024xf32, #tpu.memory_space<vmem>>, vector<16xf32>,
        %get3A_356 = arith.index_cast %scan3A_128 : i32 to index
        %get3A_357 = arith.constant 480 : index
        %get3A_358 = tpu.vector_load %arg5[%get3A_356, %get3A_357] {strides = array<i32>} : memref<64x1024xf32, #tpu.memory_space<vmem>>, vector<16xf32>,
        %mul3A_359 = arith.mulf %get3A_358, %select_n3A_146 : vector<16xf32>
        %swap3A_360 = arith.index_cast %scan3A_128 : i32 to index
        %swap3A_361 = arith.constant 480 : index
        %swap3A_362 = tpu.vector_load %arg5[%swap3A_360, %swap3A_361] {strides = array<i32>} : memref<64x1024xf32, #tpu.memory_space<vmem>>, vector<16xf32>,
        tpu.vector_store %arg5[%swap3A_360, %swap3A_361], %mul3A_359 {strides = array<i32>} : memref<64x1024xf32, #tpu.memory_space<vmem>>, vector<16xf32>,
        %get3A_363 = arith.index_cast %scan3A_128 : i32 to index
        %get3A_364 = arith.constant 496 : index
        %get3A_365 = tpu.vector_load %arg5[%get3A_363, %get3A_364] {strides = array<i32>} : memref<64x1024xf32, #tpu.memory_space<vmem>>, vector<16xf32>,
        %mul3A_366 = arith.mulf %get3A_365, %select_n3A_146 : vector<16xf32>
        %swap3A_367 = arith.index_cast %scan3A_128 : i32 to index
        %swap3A_368 = arith.constant 496 : index
        %swap3A_369 = tpu.vector_load %arg5[%swap3A_367, %swap3A_368] {strides = array<i32>} : memref<64x1024xf32, #tpu.memory_space<vmem>>, vector<16xf32>,
        tpu.vector_store %arg5[%swap3A_367, %swap3A_368], %mul3A_366 {strides = array<i32>} : memref<64x1024xf32, #tpu.memory_space<vmem>>, vector<16xf32>,
        %get3A_370 = arith.index_cast %scan3A_128 : i32 to index
        %get3A_371 = arith.constant 512 : index
        %get3A_372 = tpu.vector_load %arg5[%get3A_370, %get3A_371] {strides = array<i32>} : memref<64x1024xf32, #tpu.memory_space<vmem>>, vector<16xf32>,
        %mul3A_373 = arith.mulf %get3A_372, %select_n3A_146 : vector<16xf32>
        %swap3A_374 = arith.index_cast %scan3A_128 : i32 to index
        %swap3A_375 = arith.constant 512 : index
        %swap3A_376 = tpu.vector_load %arg5[%swap3A_374, %swap3A_375] {strides = array<i32>} : memref<64x1024xf32, #tpu.memory_space<vmem>>, vector<16xf32>,
        tpu.vector_store %arg5[%swap3A_374, %swap3A_375], %mul3A_373 {strides = array<i32>} : memref<64x1024xf32, #tpu.memory_space<vmem>>, vector<16xf32>,
        %get3A_377 = arith.index_cast %scan3A_128 : i32 to index
        %get3A_378 = arith.constant 528 : index
        %get3A_379 = tpu.vector_load %arg5[%get3A_377, %get3A_378] {strides = array<i32>} : memref<64x1024xf32, #tpu.memory_space<vmem>>, vector<16xf32>,
        %mul3A_380 = arith.mulf %get3A_379, %select_n3A_146 : vector<16xf32>
        %swap3A_381 = arith.index_cast %scan3A_128 : i32 to index
        %swap3A_382 = arith.constant 528 : index
        %swap3A_383 = tpu.vector_load %arg5[%swap3A_381, %swap3A_382] {strides = array<i32>} : memref<64x1024xf32, #tpu.memory_space<vmem>>, vector<16xf32>,
        tpu.vector_store %arg5[%swap3A_381, %swap3A_382], %mul3A_380 {strides = array<i32>} : memref<64x1024xf32, #tpu.memory_space<vmem>>, vector<16xf32>,
        %get3A_384 = arith.index_cast %scan3A_128 : i32 to index
        %get3A_385 = arith.constant 544 : index
        %get3A_386 = tpu.vector_load %arg5[%get3A_384, %get3A_385] {strides = array<i32>} : memref<64x1024xf32, #tpu.memory_space<vmem>>, vector<16xf32>,
        %mul3A_387 = arith.mulf %get3A_386, %select_n3A_146 : vector<16xf32>
        %swap3A_388 = arith.index_cast %scan3A_128 : i32 to index
        %swap3A_389 = arith.constant 544 : index
        %swap3A_390 = tpu.vector_load %arg5[%swap3A_388, %swap3A_389] {strides = array<i32>} : memref<64x1024xf32, #tpu.memory_space<vmem>>, vector<16xf32>,
        tpu.vector_store %arg5[%swap3A_388, %swap3A_389], %mul3A_387 {strides = array<i32>} : memref<64x1024xf32, #tpu.memory_space<vmem>>, vector<16xf32>,
        %get3A_391 = arith.index_cast %scan3A_128 : i32 to index
        %get3A_392 = arith.constant 560 : index
        %get3A_393 = tpu.vector_load %arg5[%get3A_391, %get3A_392] {strides = array<i32>} : memref<64x1024xf32, #tpu.memory_space<vmem>>, vector<16xf32>,
        %mul3A_394 = arith.mulf %get3A_393, %select_n3A_146 : vector<16xf32>
        %swap3A_395 = arith.index_cast %scan3A_128 : i32 to index
        %swap3A_396 = arith.constant 560 : index
        %swap3A_397 = tpu.vector_load %arg5[%swap3A_395, %swap3A_396] {strides = array<i32>} : memref<64x1024xf32, #tpu.memory_space<vmem>>, vector<16xf32>,
        tpu.vector_store %arg5[%swap3A_395, %swap3A_396], %mul3A_394 {strides = array<i32>} : memref<64x1024xf32, #tpu.memory_space<vmem>>, vector<16xf32>,
        %get3A_398 = arith.index_cast %scan3A_128 : i32 to index
        %get3A_399 = arith.constant 576 : index
        %get3A_400 = tpu.vector_load %arg5[%get3A_398, %get3A_399] {strides = array<i32>} : memref<64x1024xf32, #tpu.memory_space<vmem>>, vector<16xf32>,
        %mul3A_401 = arith.mulf %get3A_400, %select_n3A_146 : vector<16xf32>
        %swap3A_402 = arith.index_cast %scan3A_128 : i32 to index
        %swap3A_403 = arith.constant 576 : index
        %swap3A_404 = tpu.vector_load %arg5[%swap3A_402, %swap3A_403] {strides = array<i32>} : memref<64x1024xf32, #tpu.memory_space<vmem>>, vector<16xf32>,
        tpu.vector_store %arg5[%swap3A_402, %swap3A_403], %mul3A_401 {strides = array<i32>} : memref<64x1024xf32, #tpu.memory_space<vmem>>, vector<16xf32>,
        %get3A_405 = arith.index_cast %scan3A_128 : i32 to index
        %get3A_406 = arith.constant 592 : index
        %get3A_407 = tpu.vector_load %arg5[%get3A_405, %get3A_406] {strides = array<i32>} : memref<64x1024xf32, #tpu.memory_space<vmem>>, vector<16xf32>,
        %mul3A_408 = arith.mulf %get3A_407, %select_n3A_146 : vector<16xf32>
        %swap3A_409 = arith.index_cast %scan3A_128 : i32 to index
        %swap3A_410 = arith.constant 592 : index
        %swap3A_411 = tpu.vector_load %arg5[%swap3A_409, %swap3A_410] {strides = array<i32>} : memref<64x1024xf32, #tpu.memory_space<vmem>>, vector<16xf32>,
        tpu.vector_store %arg5[%swap3A_409, %swap3A_410], %mul3A_408 {strides = array<i32>} : memref<64x1024xf32, #tpu.memory_space<vmem>>, vector<16xf32>,
        %get3A_412 = arith.index_cast %scan3A_128 : i32 to index
        %get3A_413 = arith.constant 608 : index
        %get3A_414 = tpu.vector_load %arg5[%get3A_412, %get3A_413] {strides = array<i32>} : memref<64x1024xf32, #tpu.memory_space<vmem>>, vector<16xf32>,
        %mul3A_415 = arith.mulf %get3A_414, %select_n3A_146 : vector<16xf32>
        %swap3A_416 = arith.index_cast %scan3A_128 : i32 to index
        %swap3A_417 = arith.constant 608 : index
        %swap3A_418 = tpu.vector_load %arg5[%swap3A_416, %swap3A_417] {strides = array<i32>} : memref<64x1024xf32, #tpu.memory_space<vmem>>, vector<16xf32>,
        tpu.vector_store %arg5[%swap3A_416, %swap3A_417], %mul3A_415 {strides = array<i32>} : memref<64x1024xf32, #tpu.memory_space<vmem>>, vector<16xf32>,
        %get3A_419 = arith.index_cast %scan3A_128 : i32 to index
        %get3A_420 = arith.constant 624 : index
        %get3A_421 = tpu.vector_load %arg5[%get3A_419, %get3A_420] {strides = array<i32>} : memref<64x1024xf32, #tpu.memory_space<vmem>>, vector<16xf32>,
        %mul3A_422 = arith.mulf %get3A_421, %select_n3A_146 : vector<16xf32>
        %swap3A_423 = arith.index_cast %scan3A_128 : i32 to index
        %swap3A_424 = arith.constant 624 : index
        %swap3A_425 = tpu.vector_load %arg5[%swap3A_423, %swap3A_424] {strides = array<i32>} : memref<64x1024xf32, #tpu.memory_space<vmem>>, vector<16xf32>,
        tpu.vector_store %arg5[%swap3A_423, %swap3A_424], %mul3A_422 {strides = array<i32>} : memref<64x1024xf32, #tpu.memory_space<vmem>>, vector<16xf32>,
        %get3A_426 = arith.index_cast %scan3A_128 : i32 to index
        %get3A_427 = arith.constant 640 : index
        %get3A_428 = tpu.vector_load %arg5[%get3A_426, %get3A_427] {strides = array<i32>} : memref<64x1024xf32, #tpu.memory_space<vmem>>, vector<16xf32>,
        %mul3A_429 = arith.mulf %get3A_428, %select_n3A_146 : vector<16xf32>
        %swap3A_430 = arith.index_cast %scan3A_128 : i32 to index
        %swap3A_431 = arith.constant 640 : index
        %swap3A_432 = tpu.vector_load %arg5[%swap3A_430, %swap3A_431] {strides = array<i32>} : memref<64x1024xf32, #tpu.memory_space<vmem>>, vector<16xf32>,
        tpu.vector_store %arg5[%swap3A_430, %swap3A_431], %mul3A_429 {strides = array<i32>} : memref<64x1024xf32, #tpu.memory_space<vmem>>, vector<16xf32>,
        %get3A_433 = arith.index_cast %scan3A_128 : i32 to index
        %get3A_434 = arith.constant 656 : index
        %get3A_435 = tpu.vector_load %arg5[%get3A_433, %get3A_434] {strides = array<i32>} : memref<64x1024xf32, #tpu.memory_space<vmem>>, vector<16xf32>,
        %mul3A_436 = arith.mulf %get3A_435, %select_n3A_146 : vector<16xf32>
        %swap3A_437 = arith.index_cast %scan3A_128 : i32 to index
        %swap3A_438 = arith.constant 656 : index
        %swap3A_439 = tpu.vector_load %arg5[%swap3A_437, %swap3A_438] {strides = array<i32>} : memref<64x1024xf32, #tpu.memory_space<vmem>>, vector<16xf32>,
        tpu.vector_store %arg5[%swap3A_437, %swap3A_438], %mul3A_436 {strides = array<i32>} : memref<64x1024xf32, #tpu.memory_space<vmem>>, vector<16xf32>,
        %get3A_440 = arith.index_cast %scan3A_128 : i32 to index
        %get3A_441 = arith.constant 672 : index
        %get3A_442 = tpu.vector_load %arg5[%get3A_440, %get3A_441] {strides = array<i32>} : memref<64x1024xf32, #tpu.memory_space<vmem>>, vector<16xf32>,
        %mul3A_443 = arith.mulf %get3A_442, %select_n3A_146 : vector<16xf32>
        %swap3A_444 = arith.index_cast %scan3A_128 : i32 to index
        %swap3A_445 = arith.constant 672 : index
        %swap3A_446 = tpu.vector_load %arg5[%swap3A_444, %swap3A_445] {strides = array<i32>} : memref<64x1024xf32, #tpu.memory_space<vmem>>, vector<16xf32>,
        tpu.vector_store %arg5[%swap3A_444, %swap3A_445], %mul3A_443 {strides = array<i32>} : memref<64x1024xf32, #tpu.memory_space<vmem>>, vector<16xf32>,
        %get3A_447 = arith.index_cast %scan3A_128 : i32 to index
        %get3A_448 = arith.constant 688 : index
        %get3A_449 = tpu.vector_load %arg5[%get3A_447, %get3A_448] {strides = array<i32>} : memref<64x1024xf32, #tpu.memory_space<vmem>>, vector<16xf32>,
        %mul3A_450 = arith.mulf %get3A_449, %select_n3A_146 : vector<16xf32>
        %swap3A_451 = arith.index_cast %scan3A_128 : i32 to index
        %swap3A_452 = arith.constant 688 : index
        %swap3A_453 = tpu.vector_load %arg5[%swap3A_451, %swap3A_452] {strides = array<i32>} : memref<64x1024xf32, #tpu.memory_space<vmem>>, vector<16xf32>,
        tpu.vector_store %arg5[%swap3A_451, %swap3A_452], %mul3A_450 {strides = array<i32>} : memref<64x1024xf32, #tpu.memory_space<vmem>>, vector<16xf32>,
        %get3A_454 = arith.index_cast %scan3A_128 : i32 to index
        %get3A_455 = arith.constant 704 : index
        %get3A_456 = tpu.vector_load %arg5[%get3A_454, %get3A_455] {strides = array<i32>} : memref<64x1024xf32, #tpu.memory_space<vmem>>, vector<16xf32>,
        %mul3A_457 = arith.mulf %get3A_456, %select_n3A_146 : vector<16xf32>
        %swap3A_458 = arith.index_cast %scan3A_128 : i32 to index
        %swap3A_459 = arith.constant 704 : index
        %swap3A_460 = tpu.vector_load %arg5[%swap3A_458, %swap3A_459] {strides = array<i32>} : memref<64x1024xf32, #tpu.memory_space<vmem>>, vector<16xf32>,
        tpu.vector_store %arg5[%swap3A_458, %swap3A_459], %mul3A_457 {strides = array<i32>} : memref<64x1024xf32, #tpu.memory_space<vmem>>, vector<16xf32>,
        %get3A_461 = arith.index_cast %scan3A_128 : i32 to index
        %get3A_462 = arith.constant 720 : index
        %get3A_463 = tpu.vector_load %arg5[%get3A_461, %get3A_462] {strides = array<i32>} : memref<64x1024xf32, #tpu.memory_space<vmem>>, vector<16xf32>,
        %mul3A_464 = arith.mulf %get3A_463, %select_n3A_146 : vector<16xf32>
        %swap3A_465 = arith.index_cast %scan3A_128 : i32 to index
        %swap3A_466 = arith.constant 720 : index
        %swap3A_467 = tpu.vector_load %arg5[%swap3A_465, %swap3A_466] {strides = array<i32>} : memref<64x1024xf32, #tpu.memory_space<vmem>>, vector<16xf32>,
        tpu.vector_store %arg5[%swap3A_465, %swap3A_466], %mul3A_464 {strides = array<i32>} : memref<64x1024xf32, #tpu.memory_space<vmem>>, vector<16xf32>,
        %get3A_468 = arith.index_cast %scan3A_128 : i32 to index
        %get3A_469 = arith.constant 736 : index
        %get3A_470 = tpu.vector_load %arg5[%get3A_468, %get3A_469] {strides = array<i32>} : memref<64x1024xf32, #tpu.memory_space<vmem>>, vector<16xf32>,
        %mul3A_471 = arith.mulf %get3A_470, %select_n3A_146 : vector<16xf32>
        %swap3A_472 = arith.index_cast %scan3A_128 : i32 to index
        %swap3A_473 = arith.constant 736 : index
        %swap3A_474 = tpu.vector_load %arg5[%swap3A_472, %swap3A_473] {strides = array<i32>} : memref<64x1024xf32, #tpu.memory_space<vmem>>, vector<16xf32>,
        tpu.vector_store %arg5[%swap3A_472, %swap3A_473], %mul3A_471 {strides = array<i32>} : memref<64x1024xf32, #tpu.memory_space<vmem>>, vector<16xf32>,
        %get3A_475 = arith.index_cast %scan3A_128 : i32 to index
        %get3A_476 = arith.constant 752 : index
        %get3A_477 = tpu.vector_load %arg5[%get3A_475, %get3A_476] {strides = array<i32>} : memref<64x1024xf32, #tpu.memory_space<vmem>>, vector<16xf32>,
        %mul3A_478 = arith.mulf %get3A_477, %select_n3A_146 : vector<16xf32>
        %swap3A_479 = arith.index_cast %scan3A_128 : i32 to index
        %swap3A_480 = arith.constant 752 : index
        %swap3A_481 = tpu.vector_load %arg5[%swap3A_479, %swap3A_480] {strides = array<i32>} : memref<64x1024xf32, #tpu.memory_space<vmem>>, vector<16xf32>,
        tpu.vector_store %arg5[%swap3A_479, %swap3A_480], %mul3A_478 {strides = array<i32>} : memref<64x1024xf32, #tpu.memory_space<vmem>>, vector<16xf32>,
        %get3A_482 = arith.index_cast %scan3A_128 : i32 to index
        %get3A_483 = arith.constant 768 : index
        %get3A_484 = tpu.vector_load %arg5[%get3A_482, %get3A_483] {strides = array<i32>} : memref<64x1024xf32, #tpu.memory_space<vmem>>, vector<16xf32>,
        %mul3A_485 = arith.mulf %get3A_484, %select_n3A_146 : vector<16xf32>
        %swap3A_486 = arith.index_cast %scan3A_128 : i32 to index
        %swap3A_487 = arith.constant 768 : index
        %swap3A_488 = tpu.vector_load %arg5[%swap3A_486, %swap3A_487] {strides = array<i32>} : memref<64x1024xf32, #tpu.memory_space<vmem>>, vector<16xf32>,
        tpu.vector_store %arg5[%swap3A_486, %swap3A_487], %mul3A_485 {strides = array<i32>} : memref<64x1024xf32, #tpu.memory_space<vmem>>, vector<16xf32>,
        %get3A_489 = arith.index_cast %scan3A_128 : i32 to index
        %get3A_490 = arith.constant 784 : index
        %get3A_491 = tpu.vector_load %arg5[%get3A_489, %get3A_490] {strides = array<i32>} : memref<64x1024xf32, #tpu.memory_space<vmem>>, vector<16xf32>,
        %mul3A_492 = arith.mulf %get3A_491, %select_n3A_146 : vector<16xf32>
        %swap3A_493 = arith.index_cast %scan3A_128 : i32 to index
        %swap3A_494 = arith.constant 784 : index
        %swap3A_495 = tpu.vector_load %arg5[%swap3A_493, %swap3A_494] {strides = array<i32>} : memref<64x1024xf32, #tpu.memory_space<vmem>>, vector<16xf32>,
        tpu.vector_store %arg5[%swap3A_493, %swap3A_494], %mul3A_492 {strides = array<i32>} : memref<64x1024xf32, #tpu.memory_space<vmem>>, vector<16xf32>,
        %get3A_496 = arith.index_cast %scan3A_128 : i32 to index
        %get3A_497 = arith.constant 800 : index
        %get3A_498 = tpu.vector_load %arg5[%get3A_496, %get3A_497] {strides = array<i32>} : memref<64x1024xf32, #tpu.memory_space<vmem>>, vector<16xf32>,
        %mul3A_499 = arith.mulf %get3A_498, %select_n3A_146 : vector<16xf32>
        %swap3A_500 = arith.index_cast %scan3A_128 : i32 to index
        %swap3A_501 = arith.constant 800 : index
        %swap3A_502 = tpu.vector_load %arg5[%swap3A_500, %swap3A_501] {strides = array<i32>} : memref<64x1024xf32, #tpu.memory_space<vmem>>, vector<16xf32>,
        tpu.vector_store %arg5[%swap3A_500, %swap3A_501], %mul3A_499 {strides = array<i32>} : memref<64x1024xf32, #tpu.memory_space<vmem>>, vector<16xf32>,
        %get3A_503 = arith.index_cast %scan3A_128 : i32 to index
        %get3A_504 = arith.constant 816 : index
        %get3A_505 = tpu.vector_load %arg5[%get3A_503, %get3A_504] {strides = array<i32>} : memref<64x1024xf32, #tpu.memory_space<vmem>>, vector<16xf32>,
        %mul3A_506 = arith.mulf %get3A_505, %select_n3A_146 : vector<16xf32>
        %swap3A_507 = arith.index_cast %scan3A_128 : i32 to index
        %swap3A_508 = arith.constant 816 : index
        %swap3A_509 = tpu.vector_load %arg5[%swap3A_507, %swap3A_508] {strides = array<i32>} : memref<64x1024xf32, #tpu.memory_space<vmem>>, vector<16xf32>,
        tpu.vector_store %arg5[%swap3A_507, %swap3A_508], %mul3A_506 {strides = array<i32>} : memref<64x1024xf32, #tpu.memory_space<vmem>>, vector<16xf32>,
        %get3A_510 = arith.index_cast %scan3A_128 : i32 to index
        %get3A_511 = arith.constant 832 : index
        %get3A_512 = tpu.vector_load %arg5[%get3A_510, %get3A_511] {strides = array<i32>} : memref<64x1024xf32, #tpu.memory_space<vmem>>, vector<16xf32>,
        %mul3A_513 = arith.mulf %get3A_512, %select_n3A_146 : vector<16xf32>
        %swap3A_514 = arith.index_cast %scan3A_128 : i32 to index
        %swap3A_515 = arith.constant 832 : index
        %swap3A_516 = tpu.vector_load %arg5[%swap3A_514, %swap3A_515] {strides = array<i32>} : memref<64x1024xf32, #tpu.memory_space<vmem>>, vector<16xf32>,
        tpu.vector_store %arg5[%swap3A_514, %swap3A_515], %mul3A_513 {strides = array<i32>} : memref<64x1024xf32, #tpu.memory_space<vmem>>, vector<16xf32>,
        %get3A_517 = arith.index_cast %scan3A_128 : i32 to index
        %get3A_518 = arith.constant 848 : index
        %get3A_519 = tpu.vector_load %arg5[%get3A_517, %get3A_518] {strides = array<i32>} : memref<64x1024xf32, #tpu.memory_space<vmem>>, vector<16xf32>,
        %mul3A_520 = arith.mulf %get3A_519, %select_n3A_146 : vector<16xf32>
        %swap3A_521 = arith.index_cast %scan3A_128 : i32 to index
        %swap3A_522 = arith.constant 848 : index
        %swap3A_523 = tpu.vector_load %arg5[%swap3A_521, %swap3A_522] {strides = array<i32>} : memref<64x1024xf32, #tpu.memory_space<vmem>>, vector<16xf32>,
        tpu.vector_store %arg5[%swap3A_521, %swap3A_522], %mul3A_520 {strides = array<i32>} : memref<64x1024xf32, #tpu.memory_space<vmem>>, vector<16xf32>,
        %get3A_524 = arith.index_cast %scan3A_128 : i32 to index
        %get3A_525 = arith.constant 864 : index
        %get3A_526 = tpu.vector_load %arg5[%get3A_524, %get3A_525] {strides = array<i32>} : memref<64x1024xf32, #tpu.memory_space<vmem>>, vector<16xf32>,
        %mul3A_527 = arith.mulf %get3A_526, %select_n3A_146 : vector<16xf32>
        %swap3A_528 = arith.index_cast %scan3A_128 : i32 to index
        %swap3A_529 = arith.constant 864 : index
        %swap3A_530 = tpu.vector_load %arg5[%swap3A_528, %swap3A_529] {strides = array<i32>} : memref<64x1024xf32, #tpu.memory_space<vmem>>, vector<16xf32>,
        tpu.vector_store %arg5[%swap3A_528, %swap3A_529], %mul3A_527 {strides = array<i32>} : memref<64x1024xf32, #tpu.memory_space<vmem>>, vector<16xf32>,
        %get3A_531 = arith.index_cast %scan3A_128 : i32 to index
        %get3A_532 = arith.constant 880 : index
        %get3A_533 = tpu.vector_load %arg5[%get3A_531, %get3A_532] {strides = array<i32>} : memref<64x1024xf32, #tpu.memory_space<vmem>>, vector<16xf32>,
        %mul3A_534 = arith.mulf %get3A_533, %select_n3A_146 : vector<16xf32>
        %swap3A_535 = arith.index_cast %scan3A_128 : i32 to index
        %swap3A_536 = arith.constant 880 : index
        %swap3A_537 = tpu.vector_load %arg5[%swap3A_535, %swap3A_536] {strides = array<i32>} : memref<64x1024xf32, #tpu.memory_space<vmem>>, vector<16xf32>,
        tpu.vector_store %arg5[%swap3A_535, %swap3A_536], %mul3A_534 {strides = array<i32>} : memref<64x1024xf32, #tpu.memory_space<vmem>>, vector<16xf32>,
        %get3A_538 = arith.index_cast %scan3A_128 : i32 to index
        %get3A_539 = arith.constant 896 : index
        %get3A_540 = tpu.vector_load %arg5[%get3A_538, %get3A_539] {strides = array<i32>} : memref<64x1024xf32, #tpu.memory_space<vmem>>, vector<16xf32>,
        %mul3A_541 = arith.mulf %get3A_540, %select_n3A_146 : vector<16xf32>
        %swap3A_542 = arith.index_cast %scan3A_128 : i32 to index
        %swap3A_543 = arith.constant 896 : index
        %swap3A_544 = tpu.vector_load %arg5[%swap3A_542, %swap3A_543] {strides = array<i32>} : memref<64x1024xf32, #tpu.memory_space<vmem>>, vector<16xf32>,
        tpu.vector_store %arg5[%swap3A_542, %swap3A_543], %mul3A_541 {strides = array<i32>} : memref<64x1024xf32, #tpu.memory_space<vmem>>, vector<16xf32>,
        %get3A_545 = arith.index_cast %scan3A_128 : i32 to index
        %get3A_546 = arith.constant 912 : index
        %get3A_547 = tpu.vector_load %arg5[%get3A_545, %get3A_546] {strides = array<i32>} : memref<64x1024xf32, #tpu.memory_space<vmem>>, vector<16xf32>,
        %mul3A_548 = arith.mulf %get3A_547, %select_n3A_146 : vector<16xf32>
        %swap3A_549 = arith.index_cast %scan3A_128 : i32 to index
        %swap3A_550 = arith.constant 912 : index
        %swap3A_551 = tpu.vector_load %arg5[%swap3A_549, %swap3A_550] {strides = array<i32>} : memref<64x1024xf32, #tpu.memory_space<vmem>>, vector<16xf32>,
        tpu.vector_store %arg5[%swap3A_549, %swap3A_550], %mul3A_548 {strides = array<i32>} : memref<64x1024xf32, #tpu.memory_space<vmem>>, vector<16xf32>,
        %get3A_552 = arith.index_cast %scan3A_128 : i32 to index
        %get3A_553 = arith.constant 928 : index
        %get3A_554 = tpu.vector_load %arg5[%get3A_552, %get3A_553] {strides = array<i32>} : memref<64x1024xf32, #tpu.memory_space<vmem>>, vector<16xf32>,
        %mul3A_555 = arith.mulf %get3A_554, %select_n3A_146 : vector<16xf32>
        %swap3A_556 = arith.index_cast %scan3A_128 : i32 to index
        %swap3A_557 = arith.constant 928 : index
        %swap3A_558 = tpu.vector_load %arg5[%swap3A_556, %swap3A_557] {strides = array<i32>} : memref<64x1024xf32, #tpu.memory_space<vmem>>, vector<16xf32>,
        tpu.vector_store %arg5[%swap3A_556, %swap3A_557], %mul3A_555 {strides = array<i32>} : memref<64x1024xf32, #tpu.memory_space<vmem>>, vector<16xf32>,
        %get3A_559 = arith.index_cast %scan3A_128 : i32 to index
        %get3A_560 = arith.constant 944 : index
        %get3A_561 = tpu.vector_load %arg5[%get3A_559, %get3A_560] {strides = array<i32>} : memref<64x1024xf32, #tpu.memory_space<vmem>>, vector<16xf32>,
        %mul3A_562 = arith.mulf %get3A_561, %select_n3A_146 : vector<16xf32>
        %swap3A_563 = arith.index_cast %scan3A_128 : i32 to index
        %swap3A_564 = arith.constant 944 : index
        %swap3A_565 = tpu.vector_load %arg5[%swap3A_563, %swap3A_564] {strides = array<i32>} : memref<64x1024xf32, #tpu.memory_space<vmem>>, vector<16xf32>,
        tpu.vector_store %arg5[%swap3A_563, %swap3A_564], %mul3A_562 {strides = array<i32>} : memref<64x1024xf32, #tpu.memory_space<vmem>>, vector<16xf32>,
        %get3A_566 = arith.index_cast %scan3A_128 : i32 to index
        %get3A_567 = arith.constant 960 : index
        %get3A_568 = tpu.vector_load %arg5[%get3A_566, %get3A_567] {strides = array<i32>} : memref<64x1024xf32, #tpu.memory_space<vmem>>, vector<16xf32>,
        %mul3A_569 = arith.mulf %get3A_568, %select_n3A_146 : vector<16xf32>
        %swap3A_570 = arith.index_cast %scan3A_128 : i32 to index
        %swap3A_571 = arith.constant 960 : index
        %swap3A_572 = tpu.vector_load %arg5[%swap3A_570, %swap3A_571] {strides = array<i32>} : memref<64x1024xf32, #tpu.memory_space<vmem>>, vector<16xf32>,
        tpu.vector_store %arg5[%swap3A_570, %swap3A_571], %mul3A_569 {strides = array<i32>} : memref<64x1024xf32, #tpu.memory_space<vmem>>, vector<16xf32>,
        %get3A_573 = arith.index_cast %scan3A_128 : i32 to index
        %get3A_574 = arith.constant 976 : index
        %get3A_575 = tpu.vector_load %arg5[%get3A_573, %get3A_574] {strides = array<i32>} : memref<64x1024xf32, #tpu.memory_space<vmem>>, vector<16xf32>,
        %mul3A_576 = arith.mulf %get3A_575, %select_n3A_146 : vector<16xf32>
        %swap3A_577 = arith.index_cast %scan3A_128 : i32 to index
        %swap3A_578 = arith.constant 976 : index
        %swap3A_579 = tpu.vector_load %arg5[%swap3A_577, %swap3A_578] {strides = array<i32>} : memref<64x1024xf32, #tpu.memory_space<vmem>>, vector<16xf32>,
        tpu.vector_store %arg5[%swap3A_577, %swap3A_578], %mul3A_576 {strides = array<i32>} : memref<64x1024xf32, #tpu.memory_space<vmem>>, vector<16xf32>,
        %get3A_580 = arith.index_cast %scan3A_128 : i32 to index
        %get3A_581 = arith.constant 992 : index
        %get3A_582 = tpu.vector_load %arg5[%get3A_580, %get3A_581] {strides = array<i32>} : memref<64x1024xf32, #tpu.memory_space<vmem>>, vector<16xf32>,
        %mul3A_583 = arith.mulf %get3A_582, %select_n3A_146 : vector<16xf32>
        %swap3A_584 = arith.index_cast %scan3A_128 : i32 to index
        %swap3A_585 = arith.constant 992 : index
        %swap3A_586 = tpu.vector_load %arg5[%swap3A_584, %swap3A_585] {strides = array<i32>} : memref<64x1024xf32, #tpu.memory_space<vmem>>, vector<16xf32>,
        tpu.vector_store %arg5[%swap3A_584, %swap3A_585], %mul3A_583 {strides = array<i32>} : memref<64x1024xf32, #tpu.memory_space<vmem>>, vector<16xf32>,
        %get3A_587 = arith.index_cast %scan3A_128 : i32 to index
        %get3A_588 = arith.constant 1008 : index
        %get3A_589 = tpu.vector_load %arg5[%get3A_587, %get3A_588] {strides = array<i32>} : memref<64x1024xf32, #tpu.memory_space<vmem>>, vector<16xf32>,
        %mul3A_590 = arith.mulf %get3A_589, %select_n3A_146 : vector<16xf32>
        %swap3A_591 = arith.index_cast %scan3A_128 : i32 to index
        %swap3A_592 = arith.constant 1008 : index
        %swap3A_593 = tpu.vector_load %arg5[%swap3A_591, %swap3A_592] {strides = array<i32>} : memref<64x1024xf32, #tpu.memory_space<vmem>>, vector<16xf32>,
        tpu.vector_store %arg5[%swap3A_591, %swap3A_592], %mul3A_590 {strides = array<i32>} : memref<64x1024xf32, #tpu.memory_space<vmem>>, vector<16xf32>,
        %scan3A_594 = arith.constant 0 : i32
        scf.yield %scan3A_594 : i32
      }
      %scan3A_126 = arith.constant 64 : i32
      "tpu.region"() ({
        %run_scoped3A = tpu.sem_alloc : memref<!tpu.dma_semaphore, #tpu.memory_space<semaphore_mem>>
        %dma_start3A = arith.constant 0 : i32
        %dma_start3A_128 = tpu.memref_slice %arg4[%add3A_119, %dma_start3A] : memref<32768x1024xf32, #tpu.memory_space<hbm>> -> memref<64x1024xf32, #tpu.memory_space<hbm>>
        %dma_start3A_129 = arith.constant 0 : i32
        %dma_start3A_130 = tpu.memref_slice %arg4[%add3A_119, %dma_start3A_129] : memref<32768x1024xf32, #tpu.memory_space<hbm>> -> memref<64x1024xf32, #tpu.memory_space<hbm>>
        tpu.enqueue_dma source(%arg5 : memref<64x1024xf32, #tpu.memory_space<vmem>>) target(%dma_start3A_130 : memref<64x1024xf32, #tpu.memory_space<hbm>>) target_semaphore(%run_scoped3A : memref<!tpu.dma_semaphore, #tpu.memory_space<semaphore_mem>>)
        %dma_wait3A = arith.constant 0 : i32
        %dma_wait3A_131 = tpu.memref_slice %arg4[%add3A_119, %dma_wait3A] : memref<32768x1024xf32, #tpu.memory_space<hbm>> -> memref<64x1024xf32, #tpu.memory_space<hbm>>
        %dma_wait3A_132 = arith.constant 0 : i32
        %dma_wait3A_133 = tpu.memref_slice %arg4[%add3A_119, %dma_wait3A_132] : memref<32768x1024xf32, #tpu.memory_space<hbm>> -> memref<64x1024xf32, #tpu.memory_space<hbm>>
        tpu.wait_dma2 semaphore(%run_scoped3A : memref<!tpu.dma_semaphore, #tpu.memory_space<semaphore_mem>>) src(%arg5 : memref<64x1024xf32, #tpu.memory_space<vmem>>) dst(%dma_wait3A_133 : memref<64x1024xf32, #tpu.memory_space<hbm>>)
        tpu.yield
      }) : () -> ()
      %scan3A_127 = arith.constant 0 : i32
      scf.yield %scan3A_127 : i32
    }
    %scan3A_114 = arith.constant 16 : i32
    return
  }
}

</mosaic_0001>

<sc_bundles>
// kernel: kernel.3.cloned.1.call-start
scs
__scs_entry_jumppad:
0x0: {  	(pc) =	sbr.rel $0x88, $3  }
0x1: {  	(tag) =	ssettag $0x0;
	lr =	simm.s32 $0x1  }
0x2: {  	[smem:$0x3F9F] =	sst lr;
	_ =	strace $0xD0000000  }
0x3: {  	_ = 	snop  }
0x4: {  	_ = 	snop  }
0x5: {  	_ = 	snop  }
0x6: {  	_ = 	snop  }
0x7: {  	_ = 	snop  }
__scs_overlays_trampoline_lowered:
0x8: {  	[smem:$0x3FAE] =	sst s0  }
0x9: {  	[smem:$0x3FAF] =	sst s1  }
0xa: {  	[smem:$0x3FB0] =	sst s2  }
0xb: {  	[smem:$0x3FB1] =	sst s3  }
0xc: {  	[smem:$0x3FB2] =	sst s4  }
0xd: {  	[smem:$0x3FB3] =	sst s5  }
0xe: {  	[smem:$0x3FB4] =	sst s6  }
0xf: {  	[smem:$0x3FB5] =	sst s7  }
0x10: {  	[smem:$0x3FB6] =	sst s8  }
0x11: {  	[smem:$0x3FB7] =	sst s9;
	s0 =	simm.s32 @!p0 $0x0  }
0x12: {  	s1 =	sld [smem:$0x3F9D];
	s0 =	simm.s32 @p0 $0x1  }
0x13: {  	[smem:$0x3FB8] =	sst s0;
	s0 =	simm.s32 @!p1 $0x0  }
0x14: {  	s2 =	sld [smem:$0x3F9C];
	s0 =	simm.s32 @p1 $0x1  }
0x15: {  	[smem:$0x3FB9] =	sst s0;
	s0 =	simm.s32 @!p2 $0x0  }
0x16: {  	s3 =	sld [smem:$0x3FDB];
	s0 =	simm.s32 @p2 $0x1  }
0x17: {  	s4 =	simm.s32 $0x1BF5;
	[smem:$0x3FBB] =	sst s0  }
0x18: {  	s0 =	sld [smem:$0x3F9E];
	_ =	swait.ge [sflag:s4], $0x0  }
0x19: {  	s7 =	sld [smem:$0x3F9F]  }
0x1a: {  	s8 =	sadd.s32 $0xFFFFE003, lr  }
0x1b: {  	s9 =	sadd.s32 $0xFFFFFEF7, lr;
	s5 =	simm.s32 $0xFFFFFFFF;
	p2 =	slt.u32 s8, $0xFFFFF086  }
0x1c: {  	p1 =	slt.u32 s9, $0xF7A;
	s5 =	simm.s32 @!p2 $0x0  }
0x1d: {  	s5 =	simm.s32 @p1 $0x1;
	p0 =	seq.s32 s7, s2  }
0x1e: {  	s7 =	smul.u32 @!p0 $0xF7A, s2;
	p2 =	seq.s32 @!p0 s5, $0x0  }
0x1f: {  	s9 =	smul.u32 $0xF7A, s1;
	s8 =	simm.s32 @!p0 $0x1BF5;
	p2 =	por !p2, p0  }
0x20: {  	[sflag:s8] =	ssyncset.s32 @!p0 $0xFFFFF086;
	s6 =	sadd.s32 @!p0 s3, s7;
	s7 =	simm.s32 @!p0 $0x108  }
0x21: {  	s3 =	sadd.s32 s3, s9;
	s6 =	sadd.s32 @!p0 $0x88, s6;
	s7 =	simm.s32 @p2 $0x1082  }
0x22: {  	[simem:s7], [sflag:s8] =	dma.local @!p0 [hbm:s6], $0xF7A  }
0x23: {  	s9 =	sor.u32 $0xD0000000, s2;
	s6 =	simm.s32 $0x108;
	_ =	swait.ge @!p0 [sflag:s8], $0x0  }
0x24: {  	s3 =	sadd.s32 $0x88, s3;
	s6 =	simm.s32 @!p1 $0x1082;
	[sflag:s4] =	ssyncset.s32 $0xFFFFF086  }
0x25: {  	[simem:s6], [sflag:s4] =	dma.local [hbm:s3], $0xF7A  }
0x26: {  	[smem:$0x3F9F] =	sst s1;
	(tag) =	ssettag s2;
	_ =	strace s9  }
0x27: {  	s1 =	sld [smem:$0x3FAF]  }
0x28: {  	s2 =	sld [smem:$0x3FB0]  }
0x29: {  	s4 =	sld [smem:$0x3FB2]  }
0x2a: {  	p0 =	seq.s32 s5, $0x0;
	s5 =	sld [smem:$0x3FB3]  }
0x2b: {  	s6 =	sld [smem:$0x3FB4]  }
0x2c: {  	s7 =	sld [smem:$0x3FB5]  }
0x2d: {  	s3 =	simm.s32 $0x108;
	s8 =	sld [smem:$0x3FB6]  }
0x2e: {  	s3 =	simm.s32 @!p0 $0x1082;
	s9 =	sld [smem:$0x3FB7]  }
0x2f: {  	lr =	sadd.s32 s0, s3;
	s0 =	sld [smem:$0x3FAE]  }
0x30: {  	s3 =	sld [smem:$0x3FB1]  }
0x31: {  	[smem:$0x3FBA] =	sst s10  }
0x32: {  	s10 =	sld [smem:$0x3FB8];
	_ =	sdelay $0x3  }
0x33: {  	p0 =	seq.s32 s10, $0x1;
	s10 =	sld [smem:$0x3FBA];
	_ =	sdelay $0x3  }
0x34: {  	[smem:$0x3FBA] =	sst s10  }
0x35: {  	s10 =	sld [smem:$0x3FB9];
	_ =	sdelay $0x3  }
0x36: {  	p1 =	seq.s32 s10, $0x1;
	s10 =	sld [smem:$0x3FBA];
	_ =	sdelay $0x3  }
0x37: {  	[smem:$0x3FBA] =	sst s10  }
0x38: {  	s10 =	sld [smem:$0x3FBB]  }
0x39: {  	_ = 	snop;
	(pc) =	sbr.ind lr, $3  }
0x3a: {  	_ = 	snop  }
0x3b: {  	_ = 	snop  }
0x3c: {  	p2 =	seq.s32 s10, $0x1;
	s10 =	sld [smem:$0x3FBA]  }
0x3d: {  	_ =	shalt  }
0x3e: {  	_ =	shalt  }
0x3f: {  	_ =	shalt  }
0x40: {  	_ =	shalt  }
0x41: {  	_ =	shalt  }
0x42: {  	_ =	shalt  }
0x43: {  	_ =	shalt  }
0x44: {  	_ =	shalt  }
0x45: {  	_ =	shalt  }
0x46: {  	_ =	shalt  }
0x47: {  	_ =	shalt  }
0x48: {  	_ =	shalt  }
0x49: {  	_ =	shalt  }
0x4a: {  	_ =	shalt  }
0x4b: {  	_ =	shalt  }
0x4c: {  	_ =	shalt  }
0x4d: {  	_ =	shalt  }
0x4e: {  	_ =	shalt  }
0x4f: {  	_ =	shalt  }
0x50: {  	_ =	shalt  }
0x51: {  	_ =	shalt  }
0x52: {  	_ =	shalt  }
0x53: {  	_ =	shalt  }
0x54: {  	_ =	shalt  }
0x55: {  	_ =	shalt  }
0x56: {  	_ =	shalt  }
0x57: {  	_ =	shalt  }
0x58: {  	_ =	shalt  }
0x59: {  	_ =	shalt  }
0x5a: {  	_ =	shalt  }
0x5b: {  	_ =	shalt  }
0x5c: {  	_ =	shalt  }
0x5d: {  	_ =	shalt  }
0x5e: {  	_ =	shalt  }
0x5f: {  	_ =	shalt  }
0x60: {  	_ =	shalt  }
0x61: {  	_ =	shalt  }
0x62: {  	_ =	shalt  }
0x63: {  	_ =	shalt  }
0x64: {  	_ =	shalt  }
0x65: {  	_ =	shalt  }
0x66: {  	_ =	shalt  }
0x67: {  	_ =	shalt  }
0x68: {  	_ =	shalt  }
0x69: {  	_ =	shalt  }
0x6a: {  	_ =	shalt  }
0x6b: {  	_ =	shalt  }
0x6c: {  	_ =	shalt  }
0x6d: {  	_ =	shalt  }
0x6e: {  	_ =	shalt  }
0x6f: {  	_ =	shalt  }
0x70: {  	_ =	shalt  }
0x71: {  	_ =	shalt  }
0x72: {  	_ =	shalt  }
0x73: {  	_ =	shalt  }
0x74: {  	_ =	shalt  }
0x75: {  	_ =	shalt  }
0x76: {  	_ =	shalt  }
0x77: {  	_ =	shalt  }
0x78: {  	_ =	shalt  }
0x79: {  	_ =	shalt  }
0x7a: {  	_ =	shalt  }
0x7b: {  	_ =	shalt  }
0x7c: {  	_ =	shalt  }
0x7d: {  	_ =	shalt  }
0x7e: {  	_ =	shalt  }
0x7f: {  	_ =	shalt  }
0x80: {  	_ =	shalt  }
0x81: {  	_ =	shalt  }
0x82: {  	_ =	shalt  }
0x83: {  	_ =	shalt  }
0x84: {  	_ =	shalt  }
0x85: {  	_ =	shalt  }
0x86: {  	_ =	shalt  }
0x87: {  	_ =	shalt  }
.Lfunc_end0:
.L_simem_size_0:
called_computation_lowered:
.L_overlay_start_0:
0x88: {  	s2 =	sld [smem:$0x3FD9]  }
0x89: {  	s3 =	sld [smem:$0x3FFE];
	_ =	sdelay $0x1  }
0x8a: {  	s1 =	srdreg.scid  }
0x8b: {  	s0 =	sand.u32 $0x1, s1  }
0x8c: {  	s17 =	sshll.u32 s0, $0xA;
	s2 =	sadd.s32 s3, s2  }
0x8d: {  	s2 =	sadd.s32 s2, s17  }
0x8e: {  	[smem:$0x3FC6] =	sst s2  }
0x8f: {  	_ = 	snop  }
0x90: {  	s2 =	sld [smem:$0x3FC9]  }
0x91: {  	s18 =	sld [smem:$0x3FD0];
	(tm) =	ssettm $0x1  }
0x92: {  	s4 =	sld [smem:$0x3FFB];
	_ =	sdelay $0x3  }
0x93: {  	_ =	strace s4  }
0x94: {  	s4 =	sld [smem:$0x3FFC];
	_ =	sdelay $0x3  }
0x95: {  	_ =	strace s4  }
0x96: {  	s4 =	sld [smem:$0x3FFD];
	_ =	sdelay $0x3  }
0x97: {  	_ =	strace s4  }
0x98: {  	_ =	strace $0x8FFFFFFF  }
0x99: {  	s19 =	sld [smem:$0x3FDB];
	_ =	sdelay $0x1  }
0x9a: {  	s5 =	simm.s32 $_scs_section_size  }
0x9b: {  	s6 =	simm.s32 $_size__tile_overlayer_lowered;
	s7 =	simm.s32 $_tile_overlayer_lowered  }
0x9c: {  	s22 =	simm.s32 $0x1BFF;
	s21 =	sshll.u32 s7, $0x1;
	s4 =	sadd.s32 s5, s19  }
0x9d: {  	s8 =	simm.s32 $0x0;
	s20 =	sshll.u32 s6, $0x1;
	s6 =	sadd.s32 s21, s4  }
0x9e: {  	[timem:s8], [sflag:s22] =	dma.local [hbm:s6], s20  }
0x9f: {  	_ =	swait.ge [sflag:s22], s20  }
0xa0: {  	s5 =	ssub.s32 $0x0, s20;
	[sflag:s22] =	ssyncset.done $0x0  }
0xa1: {  	[sflag:s22] =	ssyncadd.s32 s5;
	_ =	sdelay $0x1  }
0xa2: {  	s23 =	simm.s32 $0x1B8B  }
0xa3: {  	_ =	swait.ge [sflag:s23], $0x1  }
0xa4: {  	[sflag:s23] =	ssyncset.done $0x0  }
0xa5: {  	s25 =	simm.s32 $0x1B8E;
	s24 =	sld [smem:$0x3FFE];
	[sflag:s23] =	ssyncadd.s32 $0xFFFFFFFF  }
0xa6: {  	s26 =	simm.s32 $execute0_lowered;
	[smem:$0x3FD2] =	sst s25  }
0xa7: {  	s6 =	sshll.u32 s26, $0x1;
	_ =	strace $0x80000046;
	[dreg:$0x1] =	wrdreg $0xFFFFFFFF  }
0xa8: {  	s28 =	simm.s32 $_size_execute0_lowered;
	s4 =	sadd.s32 s4, s6;
	[dreg:$0x0] =	wrdreg $0x0  }
0xa9: {  	s6 =	sshll.u32 s28, $0x1;
	[dreg:$0x2] =	wrdreg s4  }
0xaa: {  	[dreg:$0x3] =	wrdreg s6  }
0xab: {  	[dreg:$0x4] =	wrdreg $0xC0  }
0xac: {  	_ =	task [dreg:s8], $0x5FFFF  }
0xad: {  	[dreg:$0x1] =	wrdreg $0xFFFFFFFF  }
0xae: {  	[dreg:$0x0] =	wrdreg $0x60  }
0xaf: {  	[dreg:$0x2] =	wrdreg s2  }
0xb0: {  	[dreg:$0x3] =	wrdreg s24  }
0xb1: {  	[dreg:$0x4] =	wrdreg s18  }
0xb2: {  	[dreg:$0x5] =	wrdreg $0x9  }
0xb3: {  	_ =	task.clear_ibuf [dreg:s8], $0x6FFFF;
	_ =	strace $0x90000046  }
0xb4: {  	s29 =	simm.s32 $0x9;
	_ =	strace $0x80000048  }
0xb5: {  	_ =	swait.ge [sflag:s29], $0x1  }
0xb6: {  	[sflag:s29] =	ssyncadd.s32 $0xFFFFFFFF  }
0xb7: {  	_ =	strace $0x90000048  }
0xb8: {  	_ =	sfence  }
0xb9: {  	s30 =	sld [smem:$0x0];
	_ =	sdelay $0x2  }
0xba: {  	s31 =	sshll.u32 s1, $0xD;
	s1 =	sshrl.u32 s1, $0x2  }
0xbb: {  	s3 =	sand.u32 $0x4000, s31;
	s1 =	sadd.s32 s1, s30  }
0xbc: {  	s0 =	sor.u32 s3, s0;
	s1 =	sshll.u32 s1, $0x11  }
0xbd: {  	s0 =	sor.u32 s1, s0  }
0xbe: {  	s0 =	sadd.s32 $0x8F2B, s0  }
0xbf: {  	[sflag:s0] =	ssyncadd.remote.s32 $0x1  }
0xc0: {  	_ =	sfence.sel $0xFFFF  }
0xc1: {  	[dreg:$0x0] =	wrdreg $0xFFFFFFFF;
	(pc) =	sbr.abs _section_cstart, $3  }
0xc2: {  	[dreg:$0x1] =	wrdreg $0xFFFFFFFF  }
0xc3: {  	_ =	task.clear_ibuf [dreg:s8], $0x2FFFF;
	_ =	strace $0x9FFFFFFF  }
0xc4: {  	(tm) =	ssettm $0x7FFFFFFF  }
0xc5: {  	_ =	shalt  }
tec
execute0_lowered:
.L_overlay_start_1:
0x0: {  	(tag) =	ssettag $0x1  }
0x1: {  	s1 =	srdreg.scid  }
0x2: {  	s0 =	stileid.u32;
	s6 =	sand.u32 $0x1, s1  }
0x3: {  	s7 =	rddreg [dreg:$0x1];
	s4 =	simm.s32 $0x1;
	s1 =	sor.u32 s6, s0  }
0x4: {  	s3 =	rddreg [dreg:$0x2];
	p1 =	seq.s32 s6, $0x1;
	p0 =	seq.s32 s1, $0x0  }
0x5: {  	s2 =	rddreg [dreg:$0x3];
	s12 =	simm.s32 $0x10800;
	p0 =	por !p0, !p1  }
0x6: {  	s14 =	simm.s32 $0x0;
	s10 =	ssub.s32 $0x2, s6;
	p0 =	por !p0, !p0  }
0x7: {  	s6 =	sshll.u32 s6, $0xA;
	s11 =	sshrl.u32 s10, $0x1;
	s4 =	simm.s32 @!p0 $0x0  }
0x8: {  	s1 =	rddreg [dreg:$0x0];
	s31 =	ssub.s32 s10, s11;
	s5 =	ssub.s32 s0, s4  }
0x9: {  	v0 =	vimm.s32 $0x1;
	s10 =	simm.s32 $0x400;
	s8 =	sshll.u32 s5, $0xB;
	s5 =	sshll.u32 s5, $0x7  }
0xa: {  	v1 =	vimm.s32 $0x2;
	v2 =	vimm.s32 $0x3;
	v3 =	vimm.s32 $0x4;
	s4 =	simm.s32 $0x0;
	s9 =	sand.u32 $0xFFFFC000, s8;
	s5 =	sand.u32 $0x380, s5  }
0xb: {  	v4 =	vimm.s32 $0x5;
	v5 =	vimm.s32 $0x6;
	v6 =	vimm.s32 $0x7;
	s11 =	simm.s32 $0x10000;
	[smem:$0x7FF] =	sst s4;
	s9 =	sor.u32 s5, s9  }
0xc: {  	v7 =	vimm.s32 $0x8;
	v8 =	vimm.s32 $0x9;
	v9 =	vimm.s32 $0xA;
	_ =	strace $0x80000047;
	s13 =	sor.u32 s6, s8;
	s9 =	sshrl.u32 s9, $0x3  }
0xd: {  	v10 =	vimm.s32 $0xB;
	v11 =	vimm.s32 $0xC;
	v12 =	vimm.s32 $0xD;
	s8 =	smax.u32 s31, $0x1;
	s5 =	simm.s32 $0x1;
	s7 =	sadd.s32 s9, s7  }
0xe: {  	v13 =	vimm.s32 $0xE;
	v14 =	vimm.s32 $0xF;
	v15 =	vimm.f32 $0.0e+00;
	s13 =	sshll.u32 s13, $0x7;
	s9 =	simm.s32 $0x80;
	s7 =	sadd.s32 $0x400, s7  }
.LBB2_1:
0xf: {  	[tilespmem:s11], [sflag:$0x1] =	stream.strided.gather [hbm4b:s7+s9], $0x800, s10, s9, $0x38;
	[tilespmem:$0x10880] =	vst v63  }
0x10: {  	_ =	swait.ge [sflag:s5], $0x800  }
0x11: {  	[sflag:s5] =	ssyncset.done $0x0  }
0x12: {  	s16 =	simm.s32 $0x0;
	[sflag:s5] =	ssyncadd.s32 $0xFFFFF800  }
0x13: {  	v16 =	vimm.s32 $0x0;
	s15 =	simm.s32 $0x40;
	v17 =	vld [tilespmem:s16+$0x10000]  }
.LBB2_2:
0x14: {  	p0 =	sne.s32 s15, $0x1FC0  }
.Ltmp0:
0x15: {  	_ = 	snop;
	(pc) =	sbr.rel @p0 .LBB2_2-.Ltmp0, $3  }
0x16: {  	_ =	sdelay $0x1  }
0x17: {  	s16 =	sshra.s32 s15, $0x2;
	s15 =	sadd.s32 $0x40, s15;
	v16 =	vadd.s32 v16, v17  }
0x18: {  	v17 =	vld [tilespmem:s16+$0x10000]  }
0x19: {  	_ =	sdelay $0x3  }
0x1a: {  	v16 =	vadd.s32 v16, v17  }
0x1b: {  	[tilespmem:$0x10800] =	vst v16  }
0x1c: {  	v16 =	vld.msk [tilespmem:s12+$0x0], $0xffff  }
0x1d: {  	v17 =	vld.idx.msk [tilespmem:v0+s12+$0x0], $0xffff  }
0x1e: {  	v18 =	vld.idx.msk [tilespmem:v1+s12+$0x0], $0xffff  }
0x1f: {  	v19 =	vld.idx.msk [tilespmem:v2+s12+$0x0], $0xffff  }
0x20: {  	v20 =	vld.idx.msk [tilespmem:v3+s12+$0x0], $0xffff  }
0x21: {  	v21 =	vld.idx.msk [tilespmem:v4+s12+$0x0], $0xffff  }
0x22: {  	v16 =	vadd.s32 v16, v17;
	v17 =	vld.idx.msk [tilespmem:v5+s12+$0x0], $0xffff  }
0x23: {  	v16 =	vadd.s32 v18, v16;
	v18 =	vld.idx.msk [tilespmem:v6+s12+$0x0], $0xffff  }
0x24: {  	v16 =	vadd.s32 v19, v16;
	v19 =	vld.idx.msk [tilespmem:v7+s12+$0x0], $0xffff  }
0x25: {  	v60 =	vld.idx.msk [tilespmem:v8+s12+$0x0], $0xffff;
	v16 =	vadd.s32 v20, v16  }
0x26: {  	v61 =	vld.idx.msk [tilespmem:v9+s12+$0x0], $0xffff;
	v16 =	vadd.s32 v21, v16  }
0x27: {  	v16 =	vadd.s32 v17, v16;
	v17 =	vld.idx.msk [tilespmem:v10+s12+$0x0], $0xffff  }
0x28: {  	v16 =	vadd.s32 v18, v16;
	v18 =	vld.idx.msk [tilespmem:v11+s12+$0x0], $0xffff  }
0x29: {  	v16 =	vadd.s32 v19, v16;
	v19 =	vld.idx.msk [tilespmem:v12+s12+$0x0], $0xffff  }
0x2a: {  	v62 =	vld.idx.msk [tilespmem:v13+s12+$0x0], $0xffff;
	v16 =	vadd.s32 v60, v16  }
0x2b: {  	v63 =	vld.idx.msk [tilespmem:v14+s12+$0x0], $0xffff;
	v16 =	vadd.s32 v61, v16  }
0x2c: {  	v16 =	vadd.s32 v17, v16  }
0x2d: {  	v16 =	vadd.s32 v18, v16  }
0x2e: {  	v16 =	vadd.s32 v19, v16  }
0x2f: {  	v16 =	vadd.s32 v62, v16  }
0x30: {  	s15 =	simm.s32 $0x0;
	s16 =	smov.u32 s6;
	s17 =	simm.s32 $0x0;
	v16 =	vadd.s32 v63, v16  }
.LBB2_4:
0x31: {  	s18 =	sshll.u32 s17, $0xD  }
0x32: {  	s18 =	sor.u32 s13, s18  }
0x33: {  	s19 =	sadd.s32 s1, s18  }
0x34: {  	[tilespmem:s15], [sflag:$0x1] =	stream.linear.gather [hbm4b:s19+s15], $0x10000, $0x38;
	[tilespmem:$0x10880] =	vst v63  }
0x35: {  	s20 =	smov.u32 s16;
	_ =	swait.ge [sflag:s5], $0x10000  }
0x36: {  	s21 =	simm.s32 $0x0;
	s22 =	simm.s32 $0x0;
	[sflag:s5] =	ssyncset.done $0x0  }
0x37: {  	s23 =	simm.s32 $0x0;
	s19 =	simm.s32 $0xFFFF0000;
	[sflag:s5] =	ssyncadd.s32 $0xFFFF0000  }
.LBB2_5:
0x38: {  	v17 =	vmov s20;
	_ =	sdelay $0x4  }
0x39: {  	s24 =	sadd.s32 $0x10000, s19;
	v18 =	vld.idx.msk [tilespmem:v17+s11+$0x0], $0xffff  }
0x3a: {  	s25 =	sand.u32 $0x380, s23;
	s24 =	sand.u32 $0xE000, s24  }
0x3b: {  	s24 =	sor.u32 s25, s24  }
0x3c: {  	v19 =	vld [tilespmem:s24+$0x0]  }
0x3d: {  	v20 =	vld [tilespmem:s24+$0x10]  }
0x3e: {  	vm0 =	vlt.s32 v17, v16;
	vm1 =	vgt.s32 v18, $0x0;
	v18 =	vld [tilespmem:s24+$0x20]  }
0x3f: {  	v21 =	vld [tilespmem:s24+$0x30];
	vm0 =	vmand vm0, vm1  }
0x40: {  	v22 =	vld [tilespmem:s24+$0x50];
	v17 =	vsel vm0, $0x3F800000, v15  }
0x41: {  	v23 =	vld [tilespmem:s24+$0x60];
	v19 =	vmul.f32 v17, v19  }
0x42: {  	v24 =	vld [tilespmem:s24+$0x70];
	v20 =	vmul.f32 v17, v20  }
0x43: {  	[tilespmem:s24+$0x0] =	vst v19;
	v18 =	vmul.f32 v18, v17;
	v19 =	vld [tilespmem:s24+$0x400]  }
0x44: {  	v52 =	vld [tilespmem:s24+$0x410];
	v51 =	vmul.f32 v21, v17;
	[tilespmem:s24+$0x10] =	vst v20  }
0x45: {  	v53 =	vld [tilespmem:s24+$0x420];
	[tilespmem:s24+$0x20] =	vst v18;
	v18 =	vmul.f32 v22, v17  }
0x46: {  	v55 =	vld [tilespmem:s24+$0x430];
	v54 =	vmul.f32 v23, v17;
	[tilespmem:s24+$0x30] =	vst v51  }
0x47: {  	v56 =	vld [tilespmem:s24+$0x450];
	[tilespmem:s24+$0x50] =	vst v18;
	v18 =	vmul.f32 v24, v17  }
0x48: {  	v57 =	vld [tilespmem:s24+$0x460];
	[tilespmem:s24+$0x60] =	vst v54;
	v19 =	vmul.f32 v19, v17  }
0x49: {  	v58 =	vld [tilespmem:s24+$0x470];
	[tilespmem:s24+$0x70] =	vst v18;
	v18 =	vmul.f32 v52, v17  }
0x4a: {  	v59 =	vld [tilespmem:s24+$0x800];
	[tilespmem:s24+$0x400] =	vst v19;
	v19 =	vmul.f32 v53, v17  }
0x4b: {  	v60 =	vld [tilespmem:s24+$0x810];
	[tilespmem:s24+$0x410] =	vst v18;
	v18 =	vmul.f32 v55, v17  }
0x4c: {  	v61 =	vld [tilespmem:s24+$0x820];
	[tilespmem:s24+$0x420] =	vst v19;
	v19 =	vmul.f32 v56, v17  }
0x4d: {  	v62 =	vld [tilespmem:s24+$0x830];
	[tilespmem:s24+$0x430] =	vst v18;
	v18 =	vmul.f32 v57, v17  }
0x4e: {  	v63 =	vld [tilespmem:s24+$0x850];
	[tilespmem:s24+$0x450] =	vst v19;
	v19 =	vmul.f32 v58, v17  }
0x4f: {  	v28 =	vld [tilespmem:s24+$0x860];
	[tilespmem:s24+$0x460] =	vst v18;
	v18 =	vmul.f32 v59, v17  }
0x50: {  	v29 =	vld [tilespmem:s24+$0x870];
	[tilespmem:s24+$0x470] =	vst v19;
	v19 =	vmul.f32 v60, v17  }
0x51: {  	v30 =	vld [tilespmem:s24+$0xC00];
	[tilespmem:s24+$0x800] =	vst v18;
	v18 =	vmul.f32 v61, v17  }
0x52: {  	v31 =	vld [tilespmem:s24+$0xC10];
	[tilespmem:s24+$0x810] =	vst v19;
	v19 =	vmul.f32 v62, v17  }
0x53: {  	v32 =	vld [tilespmem:s24+$0xC20];
	[tilespmem:s24+$0x820] =	vst v18;
	v18 =	vmul.f32 v63, v17  }
0x54: {  	v33 =	vld [tilespmem:s24+$0xC30];
	[tilespmem:s24+$0x830] =	vst v19;
	v19 =	vmul.f32 v28, v17  }
0x55: {  	v34 =	vld [tilespmem:s24+$0xC50];
	[tilespmem:s24+$0x850] =	vst v18;
	v18 =	vmul.f32 v29, v17  }
0x56: {  	v35 =	vld [tilespmem:s24+$0xC60];
	[tilespmem:s24+$0x860] =	vst v19;
	v19 =	vmul.f32 v30, v17  }
0x57: {  	v36 =	vld [tilespmem:s24+$0xC70];
	[tilespmem:s24+$0x870] =	vst v18;
	v18 =	vmul.f32 v31, v17  }
0x58: {  	v37 =	vld [tilespmem:s24+$0x1000];
	[tilespmem:s24+$0xC00] =	vst v19;
	v19 =	vmul.f32 v32, v17  }
0x59: {  	v38 =	vld [tilespmem:s24+$0x1010];
	[tilespmem:s24+$0xC10] =	vst v18;
	v18 =	vmul.f32 v33, v17  }
0x5a: {  	v39 =	vld [tilespmem:s24+$0x1020];
	[tilespmem:s24+$0xC20] =	vst v19;
	v19 =	vmul.f32 v34, v17  }
0x5b: {  	v40 =	vld [tilespmem:s24+$0x1030];
	[tilespmem:s24+$0xC30] =	vst v18;
	v18 =	vmul.f32 v35, v17  }
0x5c: {  	v41 =	vld [tilespmem:s24+$0x1050];
	[tilespmem:s24+$0xC50] =	vst v19;
	v19 =	vmul.f32 v36, v17  }
0x5d: {  	v42 =	vld [tilespmem:s24+$0x1060];
	[tilespmem:s24+$0xC60] =	vst v18;
	v18 =	vmul.f32 v37, v17  }
0x5e: {  	v43 =	vld [tilespmem:s24+$0x1070];
	[tilespmem:s24+$0xC70] =	vst v19;
	v19 =	vmul.f32 v38, v17  }
0x5f: {  	v44 =	vld [tilespmem:s24+$0x1400];
	[tilespmem:s24+$0x1000] =	vst v18;
	v18 =	vmul.f32 v39, v17  }
0x60: {  	v45 =	vld [tilespmem:s24+$0x1410];
	[tilespmem:s24+$0x1010] =	vst v19;
	v19 =	vmul.f32 v40, v17  }
0x61: {  	v46 =	vld [tilespmem:s24+$0x1420];
	[tilespmem:s24+$0x1020] =	vst v18;
	v18 =	vmul.f32 v41, v17  }
0x62: {  	v47 =	vld [tilespmem:s24+$0x1430];
	[tilespmem:s24+$0x1030] =	vst v19;
	v19 =	vmul.f32 v42, v17  }
0x63: {  	v48 =	vld [tilespmem:s24+$0x1450];
	[tilespmem:s24+$0x1050] =	vst v18;
	v18 =	vmul.f32 v43, v17  }
0x64: {  	v49 =	vld [tilespmem:s24+$0x1460];
	[tilespmem:s24+$0x1060] =	vst v19;
	v19 =	vmul.f32 v44, v17  }
0x65: {  	v50 =	vld [tilespmem:s24+$0x1470];
	[tilespmem:s24+$0x1070] =	vst v18;
	v18 =	vmul.f32 v45, v17  }
0x66: {  	v51 =	vld [tilespmem:s24+$0x1800];
	[tilespmem:s24+$0x1400] =	vst v19;
	v19 =	vmul.f32 v46, v17  }
0x67: {  	v52 =	vld [tilespmem:s24+$0x1810];
	[tilespmem:s24+$0x1410] =	vst v18;
	v18 =	vmul.f32 v47, v17  }
0x68: {  	v54 =	vld [tilespmem:s24+$0x1830];
	[tilespmem:s24+$0x1420] =	vst v19;
	v19 =	vmul.f32 v48, v17  }
0x69: {  	v53 =	vld [tilespmem:s24+$0x1820];
	[tilespmem:s24+$0x1430] =	vst v18;
	v18 =	vmul.f32 v49, v17  }
0x6a: {  	v55 =	vld [tilespmem:s24+$0x1850];
	[tilespmem:s24+$0x1450] =	vst v19;
	v19 =	vmul.f32 v50, v17  }
0x6b: {  	v56 =	vld [tilespmem:s24+$0x1860];
	[tilespmem:s24+$0x1460] =	vst v18;
	v18 =	vmul.f32 v51, v17  }
0x6c: {  	v57 =	vld [tilespmem:s24+$0x1870];
	[tilespmem:s24+$0x1470] =	vst v19;
	v19 =	vmul.f32 v52, v17  }
0x6d: {  	v23 =	vmul.f32 v54, v17;
	[tilespmem:s24+$0x1800] =	vst v18;
	v18 =	vld [tilespmem:s24+$0x40]  }
0x6e: {  	v22 =	vmul.f32 v53, v17;
	[tilespmem:s24+$0x1810] =	vst v19;
	v19 =	vld [tilespmem:s24+$0x440]  }
0x6f: {  	[tilespmem:s24+$0x1830] =	vst v23;
	v58 =	vld [tilespmem:s24+$0x840];
	v24 =	vmul.f32 v55, v17  }
0x70: {  	s29 =	sand.u32 $0x7, s21;
	v59 =	vld [tilespmem:s24+$0xC40];
	[tilespmem:s24+$0x1820] =	vst v22;
	v20 =	vmul.f32 v56, v17  }
0x71: {  	s25 =	sshll.u32 s29, $0x7;
	v60 =	vld [tilespmem:s24+$0x1040];
	[tilespmem:s24+$0x1850] =	vst v24;
	v21 =	vmul.f32 v57, v17  }
0x72: {  	s25 =	sadd.s32 s25, s22;
	v61 =	vld [tilespmem:s24+$0x1440];
	[tilespmem:s24+$0x1860] =	vst v20;
	v18 =	vmul.f32 v18, v17  }
0x73: {  	s26 =	sor.u32 $0x1C00, s25;
	v62 =	vld [tilespmem:s24+$0x1840];
	[tilespmem:s24+$0x1870] =	vst v21;
	v19 =	vmul.f32 v19, v17  }
0x74: {  	v63 =	vld [tilespmem:s26+$0x0];
	[tilespmem:s24+$0x40] =	vst v18;
	v18 =	vmul.f32 v58, v17  }
0x75: {  	[tilespmem:s24+$0x440] =	vst v19;
	v19 =	vmul.f32 v59, v17  }
0x76: {  	[tilespmem:s24+$0x840] =	vst v18;
	v18 =	vmul.f32 v60, v17  }
0x77: {  	[tilespmem:s24+$0xC40] =	vst v19;
	v19 =	vmul.f32 v61, v17  }
0x78: {  	[tilespmem:s24+$0x1040] =	vst v18;
	v18 =	vmul.f32 v62, v17  }
0x79: {  	[tilespmem:s24+$0x1440] =	vst v19;
	v19 =	vmul.f32 v63, v17  }
0x7a: {  	[tilespmem:s24+$0x1840] =	vst v18  }
0x7b: {  	s30 =	sor.u32 $0x1C10, s25;
	[tilespmem:s26+$0x0] =	vst v19  }
0x7c: {  	v18 =	vld [tilespmem:s30+$0x0];
	_ =	sdelay $0x4  }
0x7d: {  	v18 =	vmul.f32 v18, v17;
	_ =	sdelay $0x1  }
0x7e: {  	s31 =	sor.u32 $0x1C20, s25;
	[tilespmem:s30+$0x0] =	vst v18  }
0x7f: {  	v18 =	vld [tilespmem:s31+$0x0];
	_ =	sdelay $0x4  }
0x80: {  	v18 =	vmul.f32 v18, v17;
	_ =	sdelay $0x1  }
0x81: {  	s26 =	sor.u32 $0x1C30, s25;
	[tilespmem:s31+$0x0] =	vst v18  }
0x82: {  	v18 =	vld [tilespmem:s26+$0x0];
	_ =	sdelay $0x4  }
0x83: {  	v18 =	vmul.f32 v18, v17;
	_ =	sdelay $0x1  }
0x84: {  	s28 =	sor.u32 $0x1C40, s25;
	[tilespmem:s26+$0x0] =	vst v18  }
0x85: {  	v18 =	vld [tilespmem:s28+$0x0];
	_ =	sdelay $0x4  }
0x86: {  	v18 =	vmul.f32 v18, v17;
	_ =	sdelay $0x1  }
0x87: {  	s29 =	sor.u32 $0x1C50, s25;
	[tilespmem:s28+$0x0] =	vst v18  }
0x88: {  	v18 =	vld [tilespmem:s29+$0x0];
	_ =	sdelay $0x4  }
0x89: {  	v18 =	vmul.f32 v18, v17;
	_ =	sdelay $0x1  }
0x8a: {  	s30 =	sor.u32 $0x1C60, s25;
	[tilespmem:s29+$0x0] =	vst v18  }
0x8b: {  	v18 =	vld [tilespmem:s30+$0x0];
	_ =	sdelay $0x4  }
0x8c: {  	v18 =	vmul.f32 v18, v17;
	_ =	sdelay $0x1  }
0x8d: {  	s31 =	sor.u32 $0x1C70, s25;
	[tilespmem:s30+$0x0] =	vst v18  }
0x8e: {  	v18 =	vld [tilespmem:s31+$0x0];
	_ =	sdelay $0x1  }
0x8f: {  	p0 =	sne.s32 s23, $0x1F80  }
.Ltmp1:
0x90: {  	_ = 	snop;
	(pc) =	sbr.rel @p0 .LBB2_5-.Ltmp1, $4  }
0x91: {  	_ = 	snop  }
0x92: {  	v17 =	vmul.f32 v18, v17  }
0x93: {  	s21 =	sadd.s32 $0x1, s21;
	s19 =	sadd.s32 $0x400, s19  }
0x94: {  	s20 =	sadd.s32 $0x1, s20;
	s23 =	sadd.s32 $0x80, s23;
	s22 =	sadd.s32 $0x400, s22;
	[tilespmem:s31+$0x0] =	vst v17  }
0x95: {  	s17 =	sadd.s32 $0x1, s17  }
0x96: {  	p0 =	sne.s32 s17, $0x10  }
.Ltmp2:
0x97: {  	s18 =	sadd.s32 s3, s18;
	(pc) =	sbr.rel @p0 .LBB2_4-.Ltmp2, $4  }
0x98: {  	[hbm4b:s18+s4] =	stream.linear.scatter [tilespmem:s4], [sflag:$0x1], $0x10000, $0x38;
	[tilespmem:$0x10880] =	vst v63  }
0x99: {  	_ =	swait.ge [sflag:s5], $0x10000  }
0x9a: {  	[sflag:s5] =	ssyncset.done $0x0  }
0x9b: {  	s16 =	sadd.s32 $0x40, s16;
	[sflag:s5] =	ssyncadd.s32 $0xFFFF0000  }
0x9c: {  	s14 =	sadd.s32 $0x1, s14  }
0x9d: {  	p0 =	sne.s32 s14, s8  }
.Ltmp3:
0x9e: {  	_ = 	snop;
	(pc) =	sbr.rel @p0 .LBB2_1-.Ltmp3, $1  }
0x9f: {  	_ =	sdelay $0x3  }
0xa0: {  	_ =	sfence.sel $0x180000  }
0xa1: {  	[bflag:$0x0] =	sbarrier.arrive $0xFFFF  }
0xa2: {  	p0 =	sne.s32 s0, $0x0;
	_ =	strace $0x90000047  }
0xa3: {  	s0 =	sadd.s32 @!p0 $0x100000, s2;
	[bflag:$0x2] =	sbarrier.arrive $0xFFFF  }
0xa4: {  	[sflag:s0] =	ssyncadd.tile.s32 @!p0 $0x1;
	_ =	shalt  }
.Lfunc_end2:
_tile_overlayer_lowered:
.L_overlay_start_2:
0xa5: {  	(tag) =	ssettag $0x2  }
0xa6: {  	s0 =	rddreg [dreg:$0x0];
	s2 =	stileid.u32  }
0xa7: {  	s1 =	rddreg [dreg:$0x1];
	p0 =	sne.s32 s2, $0x0  }
0xa8: {  	s3 =	rddreg [dreg:$0x2];
	[bflag:$0x3] =	sbarrier.arrive $0xFFFF;
	s2 =	simm.s32 @!p0 $0x1C01  }
0xa9: {  	[timem:s3], [sflag:s2] =	dma.local @!p0 [hbm:s0], s1  }
0xaa: {  	s0 =	simm.s32 @!p0 $0x1  }
0xab: {  	_ =	swait.ge @!p0 [sflag:s0], s1  }
0xac: {  	s1 =	ssub.s32 @!p0 $0x0, s1;
	[sflag:s0] =	ssyncset.done @!p0 $0x0  }
0xad: {  	[sflag:s0] =	ssyncadd.s32 @!p0 s1  }
0xae: {  	[bflag:$0x3] =	sbarrier.arrive $0xFFFF  }
0xaf: {  	_ =	shalt  }

</sc_bundles>
